<compile_context>
chip_gen: v7x
topology: tpu7x:2x2x1
jax: 0.10.2.dev20260603
libtpu: 0.0.44.dev20260713+nightly
codegen_flags: <defaults>
</compile_context>

<pallas_src>
import jax
import jax.numpy as jnp
from jax import lax
from jax.experimental import pallas as pl
from jax.experimental.pallas import tpu as pltpu
from jax.experimental.pallas import tpu_sc as plsc

N = 640000
D = 64
NW = 32
RPW = N // NW
C = 160
G = RPW // C


def _row_compute(x0v, x1v, ov, r):
    a_r0 = x0v[r, pl.ds(0, 16)]
    a_r1 = x0v[r, pl.ds(16, 16)]
    a_i0 = x0v[r, pl.ds(32, 16)]
    a_i1 = x0v[r, pl.ds(48, 16)]
    b_r0 = x1v[r, pl.ds(0, 16)]
    b_r1 = x1v[r, pl.ds(16, 16)]
    b_i0 = x1v[r, pl.ds(32, 16)]
    b_i1 = x1v[r, pl.ds(48, 16)]
    ov[r, pl.ds(0, 16)] = a_r0 * b_r0 - a_i0 * b_i0
    ov[r, pl.ds(16, 16)] = a_r1 * b_r1 - a_i1 * b_i1
    ov[r, pl.ds(32, 16)] = a_i0 * b_r0 + a_r0 * b_i0
    ov[r, pl.ds(48, 16)] = a_i1 * b_r1 + a_r1 * b_i1


def _sc_body(in0_hbm, in1_hbm, out_hbm,
             x0a, x0b, x1a, x1b, oa, ob,
             s0a, s0b, s1a, s1b, soa, sob):
    wid = lax.axis_index("s") * 2 + lax.axis_index("c")
    base = wid * RPW

    x0 = (x0a, x0b)
    x1 = (x1a, x1b)
    o = (oa, ob)
    s0 = (s0a, s0b)
    s1 = (s1a, s1b)
    so = (soa, sob)

    def in_copies(g, b):
        rows = pl.ds(base + g * C, C)
        return (
            pltpu.make_async_copy(in0_hbm.at[rows], x0[b], s0[b]),
            pltpu.make_async_copy(in1_hbm.at[rows], x1[b], s1[b]),
        )

    def out_copy(g, b):
        rows = pl.ds(base + g * C, C)
        return pltpu.make_async_copy(o[b], out_hbm.at[rows], so[b])

    for b in (0, 1):
        for c in in_copies(b, b):
            c.start()

    def chunk(g, b, not_first):
        for c in in_copies(g, b):
            c.wait()

        @pl.when(not_first)
        def _():
            out_copy(g, b).wait()

        def row_body(r, carry):
            _row_compute(x0[b], x1[b], o[b], r)
            return carry

        lax.fori_loop(0, C, row_body, 0, unroll=4)

        out_copy(g, b).start()

        @pl.when(g + 2 < G)
        def _():
            for c in in_copies(g + 2, b):
                c.start()

    def pair(i, carry):
        chunk(2 * i, 0, i >= 1)
        chunk(2 * i + 1, 1, i >= 1)
        return carry

    lax.fori_loop(0, G // 2, pair, 0)

    if G % 2 == 1:
        chunk(G - 1, 0, jnp.bool_(True))

    for b in (0, 1):
        out_copy(0, b).wait()


def kernel(in0, in1):
    scratch = (
        [pltpu.VMEM((C, D), jnp.float32) for _ in range(6)]
        + [pltpu.SemaphoreType.DMA] * 6
    )
    mesh = plsc.VectorSubcoreMesh(core_axis_name="c", subcore_axis_name="s")
    k = pl.kernel(
        _sc_body,
        out_type=jax.ShapeDtypeStruct((N, D), jnp.float32),
        mesh=mesh,
        scratch_types=scratch,
        compiler_params=pltpu.CompilerParams(use_tc_tiling_on_sc=True),
    )
    return k(in0, in1)

# --- scband reference (transcript-rebuilt; emitter-appended) ---
"""Pipeline reference for scband-tensor-product-uniform1d-jit-59356448030870 (READ-ONLY COPY).

The authoritative reference and input builder live on the scoring server;
editing this copy changes nothing except your own understanding.
"""

import jax, jax.numpy as jnp
import numpy as np

# Module config (from init_kwargs)
OPERAND_EXTENT = 32
OPERAND_NUM_SEGMENTS = [2, 2, 2]
PATH_INDICES = [[0, 0, 0], [1, 1, 0], [1, 0, 1], [0, 1, 1]]
PATH_COEFFICIENTS = [1.0, -1.0, 1.0, 1.0]

BATCH = 640000
DIM = OPERAND_NUM_SEGMENTS[0] * OPERAND_EXTENT  # 64


def setup_inputs(seed: int = 0) -> dict:
    key = jax.random.key(seed)
    k0, k1 = jax.random.split(key)
    in0 = jax.random.normal(k0, (BATCH, DIM), dtype=jnp.float32)
    in1 = jax.random.normal(k1, (BATCH, DIM), dtype=jnp.float32)
    return {"in0": in0, "in1": in1}


def reference(in0, in1):
    # TensorProductUniform1d with 3 operands (2 inputs, 1 output), all
    # vector segments of extent OPERAND_EXTENT. For each path
    # (s0, s1, s_out) with coefficient c:
    #   out[:, s_out-th segment] += c * in0[:, s0-th segment] * in1[:, s1-th segment]
    # Math is done in math_dtype (float32 here).
    E = OPERAND_EXTENT
    n_out_seg = OPERAND_NUM_SEGMENTS[-1]
    x0 = in0.astype(jnp.float32)
    x1 = in1.astype(jnp.float32)
    out = jnp.zeros((x0.shape[0], n_out_seg * E), dtype=jnp.float32)
    for (s0, s1, so), c in zip(PATH_INDICES, PATH_COEFFICIENTS):
        seg0 = x0[:, s0 * E:(s0 + 1) * E]
        seg1 = x1[:, s1 * E:(s1 + 1) * E]
        out = out.at[:, so * E:(so + 1) * E].add(c * seg0 * seg1)
    return out.astype(in0.dtype)

if __name__ == "__main__":
    import jax
    _d = setup_inputs()
    print(jax.jit(kernel)(*tuple(_d.values())))

</pallas_src>

<mosaic_0001>
#map = affine_map<(d0, d1) -> (0, 0)>
module attributes {stable_mosaic.version = 14 : i64} {
  func.func @_sc_body(%arg0: i32, %arg1: i32, %arg2: memref<640000x64xf32, #tpu.memory_space<hbm>>, %arg3: memref<640000x64xf32, #tpu.memory_space<hbm>>, %arg4: memref<640000x64xf32, #tpu.memory_space<hbm>>, %arg5: memref<160x64xf32, #tpu.memory_space<vmem>>, %arg6: memref<160x64xf32, #tpu.memory_space<vmem>>, %arg7: memref<160x64xf32, #tpu.memory_space<vmem>>, %arg8: memref<160x64xf32, #tpu.memory_space<vmem>>, %arg9: memref<160x64xf32, #tpu.memory_space<vmem>>, %arg10: memref<160x64xf32, #tpu.memory_space<vmem>>, %arg11: memref<!tpu.dma_semaphore, #tpu.memory_space<semaphore_mem>>, %arg12: memref<!tpu.dma_semaphore, #tpu.memory_space<semaphore_mem>>, %arg13: memref<!tpu.dma_semaphore, #tpu.memory_space<semaphore_mem>>, %arg14: memref<!tpu.dma_semaphore, #tpu.memory_space<semaphore_mem>>, %arg15: memref<!tpu.dma_semaphore, #tpu.memory_space<semaphore_mem>>, %arg16: memref<!tpu.dma_semaphore, #tpu.memory_space<semaphore_mem>>) attributes {dimension_semantics = [#tpu.dimension_semantics<core_parallel>, #tpu.dimension_semantics<subcore_parallel>], iteration_bounds = array<i64: 2, 16>, scalar_prefetch = 0 : i64, scratch_operands = 12 : i64, tpu.core_type = #tpu.core_type<sc_vector_subcore>, window_params = [{transform_indices = #map}, {transform_indices = #map}, {transform_indices = #map}]} {
    %mul3A = arith.constant 2 : i32
    %mul3A_0 = arith.muli %arg1, %mul3A : i32
    %add3A = arith.addi %mul3A_0, %arg0 : i32
    %mul3A_1 = arith.constant 20000 : i32
    %mul3A_2 = arith.muli %add3A, %mul3A_1 : i32
    %add3A_3 = arith.constant 0 : i32
    %add3A_4 = arith.addi %mul3A_2, %add3A_3 : i32
    %dma_start3A = arith.constant 0 : i32
    %dma_start3A_5 = tpu.memref_slice %arg2[%add3A_4, %dma_start3A] : memref<640000x64xf32, #tpu.memory_space<hbm>> -> memref<160x64xf32, #tpu.memory_space<hbm>>
    %dma_start3A_6 = arith.constant 0 : i32
    %dma_start3A_7 = tpu.memref_slice %arg2[%add3A_4, %dma_start3A_6] : memref<640000x64xf32, #tpu.memory_space<hbm>> -> memref<160x64xf32, #tpu.memory_space<hbm>>
    tpu.enqueue_dma source(%dma_start3A_7 : memref<160x64xf32, #tpu.memory_space<hbm>>) target(%arg5 : memref<160x64xf32, #tpu.memory_space<vmem>>) target_semaphore(%arg11 : memref<!tpu.dma_semaphore, #tpu.memory_space<semaphore_mem>>)
    %dma_start3A_8 = arith.constant 0 : i32
    %dma_start3A_9 = tpu.memref_slice %arg3[%add3A_4, %dma_start3A_8] : memref<640000x64xf32, #tpu.memory_space<hbm>> -> memref<160x64xf32, #tpu.memory_space<hbm>>
    %dma_start3A_10 = arith.constant 0 : i32
    %dma_start3A_11 = tpu.memref_slice %arg3[%add3A_4, %dma_start3A_10] : memref<640000x64xf32, #tpu.memory_space<hbm>> -> memref<160x64xf32, #tpu.memory_space<hbm>>
    tpu.enqueue_dma source(%dma_start3A_11 : memref<160x64xf32, #tpu.memory_space<hbm>>) target(%arg7 : memref<160x64xf32, #tpu.memory_space<vmem>>) target_semaphore(%arg13 : memref<!tpu.dma_semaphore, #tpu.memory_space<semaphore_mem>>)
    %add3A_12 = arith.constant 160 : i32
    %add3A_13 = arith.addi %mul3A_2, %add3A_12 : i32
    %dma_start3A_14 = arith.constant 0 : i32
    %dma_start3A_15 = tpu.memref_slice %arg2[%add3A_13, %dma_start3A_14] : memref<640000x64xf32, #tpu.memory_space<hbm>> -> memref<160x64xf32, #tpu.memory_space<hbm>>
    %dma_start3A_16 = arith.constant 0 : i32
    %dma_start3A_17 = tpu.memref_slice %arg2[%add3A_13, %dma_start3A_16] : memref<640000x64xf32, #tpu.memory_space<hbm>> -> memref<160x64xf32, #tpu.memory_space<hbm>>
    tpu.enqueue_dma source(%dma_start3A_17 : memref<160x64xf32, #tpu.memory_space<hbm>>) target(%arg6 : memref<160x64xf32, #tpu.memory_space<vmem>>) target_semaphore(%arg12 : memref<!tpu.dma_semaphore, #tpu.memory_space<semaphore_mem>>)
    %dma_start3A_18 = arith.constant 0 : i32
    %dma_start3A_19 = tpu.memref_slice %arg3[%add3A_13, %dma_start3A_18] : memref<640000x64xf32, #tpu.memory_space<hbm>> -> memref<160x64xf32, #tpu.memory_space<hbm>>
    %dma_start3A_20 = arith.constant 0 : i32
    %dma_start3A_21 = tpu.memref_slice %arg3[%add3A_13, %dma_start3A_20] : memref<640000x64xf32, #tpu.memory_space<hbm>> -> memref<160x64xf32, #tpu.memory_space<hbm>>
    tpu.enqueue_dma source(%dma_start3A_21 : memref<160x64xf32, #tpu.memory_space<hbm>>) target(%arg8 : memref<160x64xf32, #tpu.memory_space<vmem>>) target_semaphore(%arg14 : memref<!tpu.dma_semaphore, #tpu.memory_space<semaphore_mem>>)
    %scan3A = arith.constant 0 : i32
    %scan3A_22 = arith.constant 0 : i32
    %scan3A_23 = arith.constant 62 : i32
    %scan3A_24 = arith.addi %scan3A_22, %scan3A_23 : i32
    %scan3A_25 = arith.constant 1 : i32
    scf.for %scan3A_66 = %scan3A_22 to %scan3A_24 step %scan3A_25  : i32 {
      %mul3A_67 = arith.constant 2 : i32
      %mul3A_68 = arith.muli %mul3A_67, %scan3A_66 : i32
      %ge3A = arith.constant 1 : i32
      %ge3A_69 = arith.cmpi sge, %scan3A_66, %ge3A : i32
      %mul3A_70 = arith.constant 160 : i32
      %mul3A_71 = arith.muli %mul3A_68, %mul3A_70 : i32
      %add3A_72 = arith.addi %mul3A_2, %mul3A_71 : i32
      %dma_wait3A_73 = arith.constant 0 : i32
      %dma_wait3A_74 = tpu.memref_slice %arg2[%add3A_72, %dma_wait3A_73] : memref<640000x64xf32, #tpu.memory_space<hbm>> -> memref<160x64xf32, #tpu.memory_space<hbm>>
      %dma_wait3A_75 = arith.constant 0 : i32
      %dma_wait3A_76 = tpu.memref_slice %arg2[%add3A_72, %dma_wait3A_75] : memref<640000x64xf32, #tpu.memory_space<hbm>> -> memref<160x64xf32, #tpu.memory_space<hbm>>
      tpu.wait_dma2 semaphore(%arg11 : memref<!tpu.dma_semaphore, #tpu.memory_space<semaphore_mem>>) src(%dma_wait3A_76 : memref<160x64xf32, #tpu.memory_space<hbm>>) dst(%arg5 : memref<160x64xf32, #tpu.memory_space<vmem>>)
      %dma_wait3A_77 = arith.constant 0 : i32
      %dma_wait3A_78 = tpu.memref_slice %arg3[%add3A_72, %dma_wait3A_77] : memref<640000x64xf32, #tpu.memory_space<hbm>> -> memref<160x64xf32, #tpu.memory_space<hbm>>
      %dma_wait3A_79 = arith.constant 0 : i32
      %dma_wait3A_80 = tpu.memref_slice %arg3[%add3A_72, %dma_wait3A_79] : memref<640000x64xf32, #tpu.memory_space<hbm>> -> memref<160x64xf32, #tpu.memory_space<hbm>>
      tpu.wait_dma2 semaphore(%arg13 : memref<!tpu.dma_semaphore, #tpu.memory_space<semaphore_mem>>) src(%dma_wait3A_80 : memref<160x64xf32, #tpu.memory_space<hbm>>) dst(%arg7 : memref<160x64xf32, #tpu.memory_space<vmem>>)
      %convert_element_type3A = arith.extui %ge3A_69 : i1 to i32
      %cond3A_81 = arith.constant 0 : i32
      %cond3A_82 = arith.cmpi ne, %convert_element_type3A, %cond3A_81 : i32
      scf.if %cond3A_82 {
        %mul3A_142 = arith.constant 160 : i32
        %mul3A_143 = arith.muli %mul3A_68, %mul3A_142 : i32
        %add3A_144 = arith.addi %mul3A_2, %mul3A_143 : i32
        %dma_wait3A_145 = arith.constant 0 : i32
        %dma_wait3A_146 = tpu.memref_slice %arg4[%add3A_144, %dma_wait3A_145] : memref<640000x64xf32, #tpu.memory_space<hbm>> -> memref<160x64xf32, #tpu.memory_space<hbm>>
        %dma_wait3A_147 = arith.constant 0 : i32
        %dma_wait3A_148 = tpu.memref_slice %arg4[%add3A_144, %dma_wait3A_147] : memref<640000x64xf32, #tpu.memory_space<hbm>> -> memref<160x64xf32, #tpu.memory_space<hbm>>
        tpu.wait_dma2 semaphore(%arg15 : memref<!tpu.dma_semaphore, #tpu.memory_space<semaphore_mem>>) src(%arg9 : memref<160x64xf32, #tpu.memory_space<vmem>>) dst(%dma_wait3A_148 : memref<160x64xf32, #tpu.memory_space<hbm>>)
      } else {
      }
      %scan3A_83 = arith.constant 0 : i32
      %scan3A_84 = arith.constant 0 : i32
      %scan3A_85 = arith.constant 160 : i32
      %scan3A_86 = arith.addi %scan3A_84, %scan3A_85 : i32
      %scan3A_87 = arith.constant 4 : i32
      scf.for %scan3A_142 = %scan3A_84 to %scan3A_86 step %scan3A_87  : i32 {
        %get3A = arith.index_cast %scan3A_142 : i32 to index
        %get3A_143 = arith.constant 0 : index
        %get3A_144 = tpu.vector_load %arg5[%get3A, %get3A_143] {strides = array<i32>} : memref<160x64xf32, #tpu.memory_space<vmem>>, vector<1x16xf32>,
        %get3A_145 = vector.shape_cast %get3A_144 : vector<1x16xf32> to vector<16xf32>
        %get3A_146 = arith.index_cast %scan3A_142 : i32 to index
        %get3A_147 = arith.constant 16 : index
        %get3A_148 = tpu.vector_load %arg5[%get3A_146, %get3A_147] {strides = array<i32>} : memref<160x64xf32, #tpu.memory_space<vmem>>, vector<1x16xf32>,
        %get3A_149 = vector.shape_cast %get3A_148 : vector<1x16xf32> to vector<16xf32>
        %get3A_150 = arith.index_cast %scan3A_142 : i32 to index
        %get3A_151 = arith.constant 32 : index
        %get3A_152 = tpu.vector_load %arg5[%get3A_150, %get3A_151] {strides = array<i32>} : memref<160x64xf32, #tpu.memory_space<vmem>>, vector<1x16xf32>,
        %get3A_153 = vector.shape_cast %get3A_152 : vector<1x16xf32> to vector<16xf32>
        %get3A_154 = arith.index_cast %scan3A_142 : i32 to index
        %get3A_155 = arith.constant 48 : index
        %get3A_156 = tpu.vector_load %arg5[%get3A_154, %get3A_155] {strides = array<i32>} : memref<160x64xf32, #tpu.memory_space<vmem>>, vector<1x16xf32>,
        %get3A_157 = vector.shape_cast %get3A_156 : vector<1x16xf32> to vector<16xf32>
        %get3A_158 = arith.index_cast %scan3A_142 : i32 to index
        %get3A_159 = arith.constant 0 : index
        %get3A_160 = tpu.vector_load %arg7[%get3A_158, %get3A_159] {strides = array<i32>} : memref<160x64xf32, #tpu.memory_space<vmem>>, vector<1x16xf32>,
        %get3A_161 = vector.shape_cast %get3A_160 : vector<1x16xf32> to vector<16xf32>
        %get3A_162 = arith.index_cast %scan3A_142 : i32 to index
        %get3A_163 = arith.constant 16 : index
        %get3A_164 = tpu.vector_load %arg7[%get3A_162, %get3A_163] {strides = array<i32>} : memref<160x64xf32, #tpu.memory_space<vmem>>, vector<1x16xf32>,
        %get3A_165 = vector.shape_cast %get3A_164 : vector<1x16xf32> to vector<16xf32>
        %get3A_166 = arith.index_cast %scan3A_142 : i32 to index
        %get3A_167 = arith.constant 32 : index
        %get3A_168 = tpu.vector_load %arg7[%get3A_166, %get3A_167] {strides = array<i32>} : memref<160x64xf32, #tpu.memory_space<vmem>>, vector<1x16xf32>,
        %get3A_169 = vector.shape_cast %get3A_168 : vector<1x16xf32> to vector<16xf32>
        %get3A_170 = arith.index_cast %scan3A_142 : i32 to index
        %get3A_171 = arith.constant 48 : index
        %get3A_172 = tpu.vector_load %arg7[%get3A_170, %get3A_171] {strides = array<i32>} : memref<160x64xf32, #tpu.memory_space<vmem>>, vector<1x16xf32>,
        %get3A_173 = vector.shape_cast %get3A_172 : vector<1x16xf32> to vector<16xf32>
        %mul3A_174 = arith.mulf %get3A_145, %get3A_161 : vector<16xf32>
        %mul3A_175 = arith.mulf %get3A_153, %get3A_169 : vector<16xf32>
        %sub3A = arith.subf %mul3A_174, %mul3A_175 : vector<16xf32>
        %swap3A = arith.index_cast %scan3A_142 : i32 to index
        %swap3A_176 = arith.constant 0 : index
        %swap3A_177 = tpu.vector_load %arg9[%swap3A, %swap3A_176] {strides = array<i32>} : memref<160x64xf32, #tpu.memory_space<vmem>>, vector<1x16xf32>,
        %swap3A_178 = vector.shape_cast %swap3A_177 : vector<1x16xf32> to vector<16xf32>
        %swap3A_179 = vector.shape_cast %sub3A : vector<16xf32> to vector<1x16xf32>
        tpu.vector_store %arg9[%swap3A, %swap3A_176], %swap3A_179 {strides = array<i32>} : memref<160x64xf32, #tpu.memory_space<vmem>>, vector<1x16xf32>,
        %mul3A_180 = arith.mulf %get3A_149, %get3A_165 : vector<16xf32>
        %mul3A_181 = arith.mulf %get3A_157, %get3A_173 : vector<16xf32>
        %sub3A_182 = arith.subf %mul3A_180, %mul3A_181 : vector<16xf32>
        %swap3A_183 = arith.index_cast %scan3A_142 : i32 to index
        %swap3A_184 = arith.constant 16 : index
        %swap3A_185 = tpu.vector_load %arg9[%swap3A_183, %swap3A_184] {strides = array<i32>} : memref<160x64xf32, #tpu.memory_space<vmem>>, vector<1x16xf32>,
        %swap3A_186 = vector.shape_cast %swap3A_185 : vector<1x16xf32> to vector<16xf32>
        %swap3A_187 = vector.shape_cast %sub3A_182 : vector<16xf32> to vector<1x16xf32>
        tpu.vector_store %arg9[%swap3A_183, %swap3A_184], %swap3A_187 {strides = array<i32>} : memref<160x64xf32, #tpu.memory_space<vmem>>, vector<1x16xf32>,
        %mul3A_188 = arith.mulf %get3A_153, %get3A_161 : vector<16xf32>
        %mul3A_189 = arith.mulf %get3A_145, %get3A_169 : vector<16xf32>
        %add3A_190 = arith.addf %mul3A_188, %mul3A_189 : vector<16xf32>
        %swap3A_191 = arith.index_cast %scan3A_142 : i32 to index
        %swap3A_192 = arith.constant 32 : index
        %swap3A_193 = tpu.vector_load %arg9[%swap3A_191, %swap3A_192] {strides = array<i32>} : memref<160x64xf32, #tpu.memory_space<vmem>>, vector<1x16xf32>,
        %swap3A_194 = vector.shape_cast %swap3A_193 : vector<1x16xf32> to vector<16xf32>
        %swap3A_195 = vector.shape_cast %add3A_190 : vector<16xf32> to vector<1x16xf32>
        tpu.vector_store %arg9[%swap3A_191, %swap3A_192], %swap3A_195 {strides = array<i32>} : memref<160x64xf32, #tpu.memory_space<vmem>>, vector<1x16xf32>,
        %mul3A_196 = arith.mulf %get3A_157, %get3A_165 : vector<16xf32>
        %mul3A_197 = arith.mulf %get3A_149, %get3A_173 : vector<16xf32>
        %add3A_198 = arith.addf %mul3A_196, %mul3A_197 : vector<16xf32>
        %swap3A_199 = arith.index_cast %scan3A_142 : i32 to index
        %swap3A_200 = arith.constant 48 : index
        %swap3A_201 = tpu.vector_load %arg9[%swap3A_199, %swap3A_200] {strides = array<i32>} : memref<160x64xf32, #tpu.memory_space<vmem>>, vector<1x16xf32>,
        %swap3A_202 = vector.shape_cast %swap3A_201 : vector<1x16xf32> to vector<16xf32>
        %swap3A_203 = vector.shape_cast %add3A_198 : vector<16xf32> to vector<1x16xf32>
        tpu.vector_store %arg9[%swap3A_199, %swap3A_200], %swap3A_203 {strides = array<i32>} : memref<160x64xf32, #tpu.memory_space<vmem>>, vector<1x16xf32>,
        %scan3A_204 = arith.constant 1 : i32
        %scan3A_205 = arith.addi %scan3A_142, %scan3A_204 : i32
        %get3A_206 = arith.index_cast %scan3A_205 : i32 to index
        %get3A_207 = arith.constant 0 : index
        %get3A_208 = tpu.vector_load %arg5[%get3A_206, %get3A_207] {strides = array<i32>} : memref<160x64xf32, #tpu.memory_space<vmem>>, vector<1x16xf32>,
        %get3A_209 = vector.shape_cast %get3A_208 : vector<1x16xf32> to vector<16xf32>
        %get3A_210 = arith.index_cast %scan3A_205 : i32 to index
        %get3A_211 = arith.constant 16 : index
        %get3A_212 = tpu.vector_load %arg5[%get3A_210, %get3A_211] {strides = array<i32>} : memref<160x64xf32, #tpu.memory_space<vmem>>, vector<1x16xf32>,
        %get3A_213 = vector.shape_cast %get3A_212 : vector<1x16xf32> to vector<16xf32>
        %get3A_214 = arith.index_cast %scan3A_205 : i32 to index
        %get3A_215 = arith.constant 32 : index
        %get3A_216 = tpu.vector_load %arg5[%get3A_214, %get3A_215] {strides = array<i32>} : memref<160x64xf32, #tpu.memory_space<vmem>>, vector<1x16xf32>,
        %get3A_217 = vector.shape_cast %get3A_216 : vector<1x16xf32> to vector<16xf32>
        %get3A_218 = arith.index_cast %scan3A_205 : i32 to index
        %get3A_219 = arith.constant 48 : index
        %get3A_220 = tpu.vector_load %arg5[%get3A_218, %get3A_219] {strides = array<i32>} : memref<160x64xf32, #tpu.memory_space<vmem>>, vector<1x16xf32>,
        %get3A_221 = vector.shape_cast %get3A_220 : vector<1x16xf32> to vector<16xf32>
        %get3A_222 = arith.index_cast %scan3A_205 : i32 to index
        %get3A_223 = arith.constant 0 : index
        %get3A_224 = tpu.vector_load %arg7[%get3A_222, %get3A_223] {strides = array<i32>} : memref<160x64xf32, #tpu.memory_space<vmem>>, vector<1x16xf32>,
        %get3A_225 = vector.shape_cast %get3A_224 : vector<1x16xf32> to vector<16xf32>
        %get3A_226 = arith.index_cast %scan3A_205 : i32 to index
        %get3A_227 = arith.constant 16 : index
        %get3A_228 = tpu.vector_load %arg7[%get3A_226, %get3A_227] {strides = array<i32>} : memref<160x64xf32, #tpu.memory_space<vmem>>, vector<1x16xf32>,
        %get3A_229 = vector.shape_cast %get3A_228 : vector<1x16xf32> to vector<16xf32>
        %get3A_230 = arith.index_cast %scan3A_205 : i32 to index
        %get3A_231 = arith.constant 32 : index
        %get3A_232 = tpu.vector_load %arg7[%get3A_230, %get3A_231] {strides = array<i32>} : memref<160x64xf32, #tpu.memory_space<vmem>>, vector<1x16xf32>,
        %get3A_233 = vector.shape_cast %get3A_232 : vector<1x16xf32> to vector<16xf32>
        %get3A_234 = arith.index_cast %scan3A_205 : i32 to index
        %get3A_235 = arith.constant 48 : index
        %get3A_236 = tpu.vector_load %arg7[%get3A_234, %get3A_235] {strides = array<i32>} : memref<160x64xf32, #tpu.memory_space<vmem>>, vector<1x16xf32>,
        %get3A_237 = vector.shape_cast %get3A_236 : vector<1x16xf32> to vector<16xf32>
        %mul3A_238 = arith.mulf %get3A_209, %get3A_225 : vector<16xf32>
        %mul3A_239 = arith.mulf %get3A_217, %get3A_233 : vector<16xf32>
        %sub3A_240 = arith.subf %mul3A_238, %mul3A_239 : vector<16xf32>
        %swap3A_241 = arith.index_cast %scan3A_205 : i32 to index
        %swap3A_242 = arith.constant 0 : index
        %swap3A_243 = tpu.vector_load %arg9[%swap3A_241, %swap3A_242] {strides = array<i32>} : memref<160x64xf32, #tpu.memory_space<vmem>>, vector<1x16xf32>,
        %swap3A_244 = vector.shape_cast %swap3A_243 : vector<1x16xf32> to vector<16xf32>
        %swap3A_245 = vector.shape_cast %sub3A_240 : vector<16xf32> to vector<1x16xf32>
        tpu.vector_store %arg9[%swap3A_241, %swap3A_242], %swap3A_245 {strides = array<i32>} : memref<160x64xf32, #tpu.memory_space<vmem>>, vector<1x16xf32>,
        %mul3A_246 = arith.mulf %get3A_213, %get3A_229 : vector<16xf32>
        %mul3A_247 = arith.mulf %get3A_221, %get3A_237 : vector<16xf32>
        %sub3A_248 = arith.subf %mul3A_246, %mul3A_247 : vector<16xf32>
        %swap3A_249 = arith.index_cast %scan3A_205 : i32 to index
        %swap3A_250 = arith.constant 16 : index
        %swap3A_251 = tpu.vector_load %arg9[%swap3A_249, %swap3A_250] {strides = array<i32>} : memref<160x64xf32, #tpu.memory_space<vmem>>, vector<1x16xf32>,
        %swap3A_252 = vector.shape_cast %swap3A_251 : vector<1x16xf32> to vector<16xf32>
        %swap3A_253 = vector.shape_cast %sub3A_248 : vector<16xf32> to vector<1x16xf32>
        tpu.vector_store %arg9[%swap3A_249, %swap3A_250], %swap3A_253 {strides = array<i32>} : memref<160x64xf32, #tpu.memory_space<vmem>>, vector<1x16xf32>,
        %mul3A_254 = arith.mulf %get3A_217, %get3A_225 : vector<16xf32>
        %mul3A_255 = arith.mulf %get3A_209, %get3A_233 : vector<16xf32>
        %add3A_256 = arith.addf %mul3A_254, %mul3A_255 : vector<16xf32>
        %swap3A_257 = arith.index_cast %scan3A_205 : i32 to index
        %swap3A_258 = arith.constant 32 : index
        %swap3A_259 = tpu.vector_load %arg9[%swap3A_257, %swap3A_258] {strides = array<i32>} : memref<160x64xf32, #tpu.memory_space<vmem>>, vector<1x16xf32>,
        %swap3A_260 = vector.shape_cast %swap3A_259 : vector<1x16xf32> to vector<16xf32>
        %swap3A_261 = vector.shape_cast %add3A_256 : vector<16xf32> to vector<1x16xf32>
        tpu.vector_store %arg9[%swap3A_257, %swap3A_258], %swap3A_261 {strides = array<i32>} : memref<160x64xf32, #tpu.memory_space<vmem>>, vector<1x16xf32>,
        %mul3A_262 = arith.mulf %get3A_221, %get3A_229 : vector<16xf32>
        %mul3A_263 = arith.mulf %get3A_213, %get3A_237 : vector<16xf32>
        %add3A_264 = arith.addf %mul3A_262, %mul3A_263 : vector<16xf32>
        %swap3A_265 = arith.index_cast %scan3A_205 : i32 to index
        %swap3A_266 = arith.constant 48 : index
        %swap3A_267 = tpu.vector_load %arg9[%swap3A_265, %swap3A_266] {strides = array<i32>} : memref<160x64xf32, #tpu.memory_space<vmem>>, vector<1x16xf32>,
        %swap3A_268 = vector.shape_cast %swap3A_267 : vector<1x16xf32> to vector<16xf32>
        %swap3A_269 = vector.shape_cast %add3A_264 : vector<16xf32> to vector<1x16xf32>
        tpu.vector_store %arg9[%swap3A_265, %swap3A_266], %swap3A_269 {strides = array<i32>} : memref<160x64xf32, #tpu.memory_space<vmem>>, vector<1x16xf32>,
        %scan3A_270 = arith.constant 2 : i32
        %scan3A_271 = arith.addi %scan3A_142, %scan3A_270 : i32
        %get3A_272 = arith.index_cast %scan3A_271 : i32 to index
        %get3A_273 = arith.constant 0 : index
        %get3A_274 = tpu.vector_load %arg5[%get3A_272, %get3A_273] {strides = array<i32>} : memref<160x64xf32, #tpu.memory_space<vmem>>, vector<1x16xf32>,
        %get3A_275 = vector.shape_cast %get3A_274 : vector<1x16xf32> to vector<16xf32>
        %get3A_276 = arith.index_cast %scan3A_271 : i32 to index
        %get3A_277 = arith.constant 16 : index
        %get3A_278 = tpu.vector_load %arg5[%get3A_276, %get3A_277] {strides = array<i32>} : memref<160x64xf32, #tpu.memory_space<vmem>>, vector<1x16xf32>,
        %get3A_279 = vector.shape_cast %get3A_278 : vector<1x16xf32> to vector<16xf32>
        %get3A_280 = arith.index_cast %scan3A_271 : i32 to index
        %get3A_281 = arith.constant 32 : index
        %get3A_282 = tpu.vector_load %arg5[%get3A_280, %get3A_281] {strides = array<i32>} : memref<160x64xf32, #tpu.memory_space<vmem>>, vector<1x16xf32>,
        %get3A_283 = vector.shape_cast %get3A_282 : vector<1x16xf32> to vector<16xf32>
        %get3A_284 = arith.index_cast %scan3A_271 : i32 to index
        %get3A_285 = arith.constant 48 : index
        %get3A_286 = tpu.vector_load %arg5[%get3A_284, %get3A_285] {strides = array<i32>} : memref<160x64xf32, #tpu.memory_space<vmem>>, vector<1x16xf32>,
        %get3A_287 = vector.shape_cast %get3A_286 : vector<1x16xf32> to vector<16xf32>
        %get3A_288 = arith.index_cast %scan3A_271 : i32 to index
        %get3A_289 = arith.constant 0 : index
        %get3A_290 = tpu.vector_load %arg7[%get3A_288, %get3A_289] {strides = array<i32>} : memref<160x64xf32, #tpu.memory_space<vmem>>, vector<1x16xf32>,
        %get3A_291 = vector.shape_cast %get3A_290 : vector<1x16xf32> to vector<16xf32>
        %get3A_292 = arith.index_cast %scan3A_271 : i32 to index
        %get3A_293 = arith.constant 16 : index
        %get3A_294 = tpu.vector_load %arg7[%get3A_292, %get3A_293] {strides = array<i32>} : memref<160x64xf32, #tpu.memory_space<vmem>>, vector<1x16xf32>,
        %get3A_295 = vector.shape_cast %get3A_294 : vector<1x16xf32> to vector<16xf32>
        %get3A_296 = arith.index_cast %scan3A_271 : i32 to index
        %get3A_297 = arith.constant 32 : index
        %get3A_298 = tpu.vector_load %arg7[%get3A_296, %get3A_297] {strides = array<i32>} : memref<160x64xf32, #tpu.memory_space<vmem>>, vector<1x16xf32>,
        %get3A_299 = vector.shape_cast %get3A_298 : vector<1x16xf32> to vector<16xf32>
        %get3A_300 = arith.index_cast %scan3A_271 : i32 to index
        %get3A_301 = arith.constant 48 : index
        %get3A_302 = tpu.vector_load %arg7[%get3A_300, %get3A_301] {strides = array<i32>} : memref<160x64xf32, #tpu.memory_space<vmem>>, vector<1x16xf32>,
        %get3A_303 = vector.shape_cast %get3A_302 : vector<1x16xf32> to vector<16xf32>
        %mul3A_304 = arith.mulf %get3A_275, %get3A_291 : vector<16xf32>
        %mul3A_305 = arith.mulf %get3A_283, %get3A_299 : vector<16xf32>
        %sub3A_306 = arith.subf %mul3A_304, %mul3A_305 : vector<16xf32>
        %swap3A_307 = arith.index_cast %scan3A_271 : i32 to index
        %swap3A_308 = arith.constant 0 : index
        %swap3A_309 = tpu.vector_load %arg9[%swap3A_307, %swap3A_308] {strides = array<i32>} : memref<160x64xf32, #tpu.memory_space<vmem>>, vector<1x16xf32>,
        %swap3A_310 = vector.shape_cast %swap3A_309 : vector<1x16xf32> to vector<16xf32>
        %swap3A_311 = vector.shape_cast %sub3A_306 : vector<16xf32> to vector<1x16xf32>
        tpu.vector_store %arg9[%swap3A_307, %swap3A_308], %swap3A_311 {strides = array<i32>} : memref<160x64xf32, #tpu.memory_space<vmem>>, vector<1x16xf32>,
        %mul3A_312 = arith.mulf %get3A_279, %get3A_295 : vector<16xf32>
        %mul3A_313 = arith.mulf %get3A_287, %get3A_303 : vector<16xf32>
        %sub3A_314 = arith.subf %mul3A_312, %mul3A_313 : vector<16xf32>
        %swap3A_315 = arith.index_cast %scan3A_271 : i32 to index
        %swap3A_316 = arith.constant 16 : index
        %swap3A_317 = tpu.vector_load %arg9[%swap3A_315, %swap3A_316] {strides = array<i32>} : memref<160x64xf32, #tpu.memory_space<vmem>>, vector<1x16xf32>,
        %swap3A_318 = vector.shape_cast %swap3A_317 : vector<1x16xf32> to vector<16xf32>
        %swap3A_319 = vector.shape_cast %sub3A_314 : vector<16xf32> to vector<1x16xf32>
        tpu.vector_store %arg9[%swap3A_315, %swap3A_316], %swap3A_319 {strides = array<i32>} : memref<160x64xf32, #tpu.memory_space<vmem>>, vector<1x16xf32>,
        %mul3A_320 = arith.mulf %get3A_283, %get3A_291 : vector<16xf32>
        %mul3A_321 = arith.mulf %get3A_275, %get3A_299 : vector<16xf32>
        %add3A_322 = arith.addf %mul3A_320, %mul3A_321 : vector<16xf32>
        %swap3A_323 = arith.index_cast %scan3A_271 : i32 to index
        %swap3A_324 = arith.constant 32 : index
        %swap3A_325 = tpu.vector_load %arg9[%swap3A_323, %swap3A_324] {strides = array<i32>} : memref<160x64xf32, #tpu.memory_space<vmem>>, vector<1x16xf32>,
        %swap3A_326 = vector.shape_cast %swap3A_325 : vector<1x16xf32> to vector<16xf32>
        %swap3A_327 = vector.shape_cast %add3A_322 : vector<16xf32> to vector<1x16xf32>
        tpu.vector_store %arg9[%swap3A_323, %swap3A_324], %swap3A_327 {strides = array<i32>} : memref<160x64xf32, #tpu.memory_space<vmem>>, vector<1x16xf32>,
        %mul3A_328 = arith.mulf %get3A_287, %get3A_295 : vector<16xf32>
        %mul3A_329 = arith.mulf %get3A_279, %get3A_303 : vector<16xf32>
        %add3A_330 = arith.addf %mul3A_328, %mul3A_329 : vector<16xf32>
        %swap3A_331 = arith.index_cast %scan3A_271 : i32 to index
        %swap3A_332 = arith.constant 48 : index
        %swap3A_333 = tpu.vector_load %arg9[%swap3A_331, %swap3A_332] {strides = array<i32>} : memref<160x64xf32, #tpu.memory_space<vmem>>, vector<1x16xf32>,
        %swap3A_334 = vector.shape_cast %swap3A_333 : vector<1x16xf32> to vector<16xf32>
        %swap3A_335 = vector.shape_cast %add3A_330 : vector<16xf32> to vector<1x16xf32>
        tpu.vector_store %arg9[%swap3A_331, %swap3A_332], %swap3A_335 {strides = array<i32>} : memref<160x64xf32, #tpu.memory_space<vmem>>, vector<1x16xf32>,
        %scan3A_336 = arith.constant 3 : i32
        %scan3A_337 = arith.addi %scan3A_142, %scan3A_336 : i32
        %get3A_338 = arith.index_cast %scan3A_337 : i32 to index
        %get3A_339 = arith.constant 0 : index
        %get3A_340 = tpu.vector_load %arg5[%get3A_338, %get3A_339] {strides = array<i32>} : memref<160x64xf32, #tpu.memory_space<vmem>>, vector<1x16xf32>,
        %get3A_341 = vector.shape_cast %get3A_340 : vector<1x16xf32> to vector<16xf32>
        %get3A_342 = arith.index_cast %scan3A_337 : i32 to index
        %get3A_343 = arith.constant 16 : index
        %get3A_344 = tpu.vector_load %arg5[%get3A_342, %get3A_343] {strides = array<i32>} : memref<160x64xf32, #tpu.memory_space<vmem>>, vector<1x16xf32>,
        %get3A_345 = vector.shape_cast %get3A_344 : vector<1x16xf32> to vector<16xf32>
        %get3A_346 = arith.index_cast %scan3A_337 : i32 to index
        %get3A_347 = arith.constant 32 : index
        %get3A_348 = tpu.vector_load %arg5[%get3A_346, %get3A_347] {strides = array<i32>} : memref<160x64xf32, #tpu.memory_space<vmem>>, vector<1x16xf32>,
        %get3A_349 = vector.shape_cast %get3A_348 : vector<1x16xf32> to vector<16xf32>
        %get3A_350 = arith.index_cast %scan3A_337 : i32 to index
        %get3A_351 = arith.constant 48 : index
        %get3A_352 = tpu.vector_load %arg5[%get3A_350, %get3A_351] {strides = array<i32>} : memref<160x64xf32, #tpu.memory_space<vmem>>, vector<1x16xf32>,
        %get3A_353 = vector.shape_cast %get3A_352 : vector<1x16xf32> to vector<16xf32>
        %get3A_354 = arith.index_cast %scan3A_337 : i32 to index
        %get3A_355 = arith.constant 0 : index
        %get3A_356 = tpu.vector_load %arg7[%get3A_354, %get3A_355] {strides = array<i32>} : memref<160x64xf32, #tpu.memory_space<vmem>>, vector<1x16xf32>,
        %get3A_357 = vector.shape_cast %get3A_356 : vector<1x16xf32> to vector<16xf32>
        %get3A_358 = arith.index_cast %scan3A_337 : i32 to index
        %get3A_359 = arith.constant 16 : index
        %get3A_360 = tpu.vector_load %arg7[%get3A_358, %get3A_359] {strides = array<i32>} : memref<160x64xf32, #tpu.memory_space<vmem>>, vector<1x16xf32>,
        %get3A_361 = vector.shape_cast %get3A_360 : vector<1x16xf32> to vector<16xf32>
        %get3A_362 = arith.index_cast %scan3A_337 : i32 to index
        %get3A_363 = arith.constant 32 : index
        %get3A_364 = tpu.vector_load %arg7[%get3A_362, %get3A_363] {strides = array<i32>} : memref<160x64xf32, #tpu.memory_space<vmem>>, vector<1x16xf32>,
        %get3A_365 = vector.shape_cast %get3A_364 : vector<1x16xf32> to vector<16xf32>
        %get3A_366 = arith.index_cast %scan3A_337 : i32 to index
        %get3A_367 = arith.constant 48 : index
        %get3A_368 = tpu.vector_load %arg7[%get3A_366, %get3A_367] {strides = array<i32>} : memref<160x64xf32, #tpu.memory_space<vmem>>, vector<1x16xf32>,
        %get3A_369 = vector.shape_cast %get3A_368 : vector<1x16xf32> to vector<16xf32>
        %mul3A_370 = arith.mulf %get3A_341, %get3A_357 : vector<16xf32>
        %mul3A_371 = arith.mulf %get3A_349, %get3A_365 : vector<16xf32>
        %sub3A_372 = arith.subf %mul3A_370, %mul3A_371 : vector<16xf32>
        %swap3A_373 = arith.index_cast %scan3A_337 : i32 to index
        %swap3A_374 = arith.constant 0 : index
        %swap3A_375 = tpu.vector_load %arg9[%swap3A_373, %swap3A_374] {strides = array<i32>} : memref<160x64xf32, #tpu.memory_space<vmem>>, vector<1x16xf32>,
        %swap3A_376 = vector.shape_cast %swap3A_375 : vector<1x16xf32> to vector<16xf32>
        %swap3A_377 = vector.shape_cast %sub3A_372 : vector<16xf32> to vector<1x16xf32>
        tpu.vector_store %arg9[%swap3A_373, %swap3A_374], %swap3A_377 {strides = array<i32>} : memref<160x64xf32, #tpu.memory_space<vmem>>, vector<1x16xf32>,
        %mul3A_378 = arith.mulf %get3A_345, %get3A_361 : vector<16xf32>
        %mul3A_379 = arith.mulf %get3A_353, %get3A_369 : vector<16xf32>
        %sub3A_380 = arith.subf %mul3A_378, %mul3A_379 : vector<16xf32>
        %swap3A_381 = arith.index_cast %scan3A_337 : i32 to index
        %swap3A_382 = arith.constant 16 : index
        %swap3A_383 = tpu.vector_load %arg9[%swap3A_381, %swap3A_382] {strides = array<i32>} : memref<160x64xf32, #tpu.memory_space<vmem>>, vector<1x16xf32>,
        %swap3A_384 = vector.shape_cast %swap3A_383 : vector<1x16xf32> to vector<16xf32>
        %swap3A_385 = vector.shape_cast %sub3A_380 : vector<16xf32> to vector<1x16xf32>
        tpu.vector_store %arg9[%swap3A_381, %swap3A_382], %swap3A_385 {strides = array<i32>} : memref<160x64xf32, #tpu.memory_space<vmem>>, vector<1x16xf32>,
        %mul3A_386 = arith.mulf %get3A_349, %get3A_357 : vector<16xf32>
        %mul3A_387 = arith.mulf %get3A_341, %get3A_365 : vector<16xf32>
        %add3A_388 = arith.addf %mul3A_386, %mul3A_387 : vector<16xf32>
        %swap3A_389 = arith.index_cast %scan3A_337 : i32 to index
        %swap3A_390 = arith.constant 32 : index
        %swap3A_391 = tpu.vector_load %arg9[%swap3A_389, %swap3A_390] {strides = array<i32>} : memref<160x64xf32, #tpu.memory_space<vmem>>, vector<1x16xf32>,
        %swap3A_392 = vector.shape_cast %swap3A_391 : vector<1x16xf32> to vector<16xf32>
        %swap3A_393 = vector.shape_cast %add3A_388 : vector<16xf32> to vector<1x16xf32>
        tpu.vector_store %arg9[%swap3A_389, %swap3A_390], %swap3A_393 {strides = array<i32>} : memref<160x64xf32, #tpu.memory_space<vmem>>, vector<1x16xf32>,
        %mul3A_394 = arith.mulf %get3A_353, %get3A_361 : vector<16xf32>
        %mul3A_395 = arith.mulf %get3A_345, %get3A_369 : vector<16xf32>
        %add3A_396 = arith.addf %mul3A_394, %mul3A_395 : vector<16xf32>
        %swap3A_397 = arith.index_cast %scan3A_337 : i32 to index
        %swap3A_398 = arith.constant 48 : index
        %swap3A_399 = tpu.vector_load %arg9[%swap3A_397, %swap3A_398] {strides = array<i32>} : memref<160x64xf32, #tpu.memory_space<vmem>>, vector<1x16xf32>,
        %swap3A_400 = vector.shape_cast %swap3A_399 : vector<1x16xf32> to vector<16xf32>
        %swap3A_401 = vector.shape_cast %add3A_396 : vector<16xf32> to vector<1x16xf32>
        tpu.vector_store %arg9[%swap3A_397, %swap3A_398], %swap3A_401 {strides = array<i32>} : memref<160x64xf32, #tpu.memory_space<vmem>>, vector<1x16xf32>,
      }
      %scan3A_88 = arith.constant 160 : i32
      %mul3A_89 = arith.constant 160 : i32
      %mul3A_90 = arith.muli %mul3A_68, %mul3A_89 : i32
      %add3A_91 = arith.addi %mul3A_2, %mul3A_90 : i32
      %dma_start3A_92 = arith.constant 0 : i32
      %dma_start3A_93 = tpu.memref_slice %arg4[%add3A_91, %dma_start3A_92] : memref<640000x64xf32, #tpu.memory_space<hbm>> -> memref<160x64xf32, #tpu.memory_space<hbm>>
      %dma_start3A_94 = arith.constant 0 : i32
      %dma_start3A_95 = tpu.memref_slice %arg4[%add3A_91, %dma_start3A_94] : memref<640000x64xf32, #tpu.memory_space<hbm>> -> memref<160x64xf32, #tpu.memory_space<hbm>>
      tpu.enqueue_dma source(%arg9 : memref<160x64xf32, #tpu.memory_space<vmem>>) target(%dma_start3A_95 : memref<160x64xf32, #tpu.memory_space<hbm>>) target_semaphore(%arg15 : memref<!tpu.dma_semaphore, #tpu.memory_space<semaphore_mem>>)
      %add3A_96 = arith.constant 2 : i32
      %add3A_97 = arith.addi %mul3A_68, %add3A_96 : i32
      %lt3A = arith.constant 125 : i32
      %lt3A_98 = arith.cmpi slt, %add3A_97, %lt3A : i32
      %convert_element_type3A_99 = arith.extui %lt3A_98 : i1 to i32
      %cond3A_100 = arith.constant 0 : i32
      %cond3A_101 = arith.cmpi ne, %convert_element_type3A_99, %cond3A_100 : i32
      scf.if %cond3A_101 {
        %add3A_142 = arith.constant 2 : i32
        %add3A_143 = arith.addi %mul3A_68, %add3A_142 : i32
        %mul3A_144 = arith.constant 160 : i32
        %mul3A_145 = arith.muli %add3A_143, %mul3A_144 : i32
        %add3A_146 = arith.addi %mul3A_2, %mul3A_145 : i32
        %dma_start3A_147 = arith.constant 0 : i32
        %dma_start3A_148 = tpu.memref_slice %arg2[%add3A_146, %dma_start3A_147] : memref<640000x64xf32, #tpu.memory_space<hbm>> -> memref<160x64xf32, #tpu.memory_space<hbm>>
        %dma_start3A_149 = arith.constant 0 : i32
        %dma_start3A_150 = tpu.memref_slice %arg2[%add3A_146, %dma_start3A_149] : memref<640000x64xf32, #tpu.memory_space<hbm>> -> memref<160x64xf32, #tpu.memory_space<hbm>>
        tpu.enqueue_dma source(%dma_start3A_150 : memref<160x64xf32, #tpu.memory_space<hbm>>) target(%arg5 : memref<160x64xf32, #tpu.memory_space<vmem>>) target_semaphore(%arg11 : memref<!tpu.dma_semaphore, #tpu.memory_space<semaphore_mem>>)
        %dma_start3A_151 = arith.constant 0 : i32
        %dma_start3A_152 = tpu.memref_slice %arg3[%add3A_146, %dma_start3A_151] : memref<640000x64xf32, #tpu.memory_space<hbm>> -> memref<160x64xf32, #tpu.memory_space<hbm>>
        %dma_start3A_153 = arith.constant 0 : i32
        %dma_start3A_154 = tpu.memref_slice %arg3[%add3A_146, %dma_start3A_153] : memref<640000x64xf32, #tpu.memory_space<hbm>> -> memref<160x64xf32, #tpu.memory_space<hbm>>
        tpu.enqueue_dma source(%dma_start3A_154 : memref<160x64xf32, #tpu.memory_space<hbm>>) target(%arg7 : memref<160x64xf32, #tpu.memory_space<vmem>>) target_semaphore(%arg13 : memref<!tpu.dma_semaphore, #tpu.memory_space<semaphore_mem>>)
      } else {
      }
      %mul3A_102 = arith.constant 2 : i32
      %mul3A_103 = arith.muli %mul3A_102, %scan3A_66 : i32
      %add3A_104 = arith.constant 1 : i32
      %add3A_105 = arith.addi %mul3A_103, %add3A_104 : i32
      %ge3A_106 = arith.constant 1 : i32
      %ge3A_107 = arith.cmpi sge, %scan3A_66, %ge3A_106 : i32
      %mul3A_108 = arith.constant 160 : i32
      %mul3A_109 = arith.muli %add3A_105, %mul3A_108 : i32
      %add3A_110 = arith.addi %mul3A_2, %mul3A_109 : i32
      %dma_wait3A_111 = arith.constant 0 : i32
      %dma_wait3A_112 = tpu.memref_slice %arg2[%add3A_110, %dma_wait3A_111] : memref<640000x64xf32, #tpu.memory_space<hbm>> -> memref<160x64xf32, #tpu.memory_space<hbm>>
      %dma_wait3A_113 = arith.constant 0 : i32
      %dma_wait3A_114 = tpu.memref_slice %arg2[%add3A_110, %dma_wait3A_113] : memref<640000x64xf32, #tpu.memory_space<hbm>> -> memref<160x64xf32, #tpu.memory_space<hbm>>
      tpu.wait_dma2 semaphore(%arg12 : memref<!tpu.dma_semaphore, #tpu.memory_space<semaphore_mem>>) src(%dma_wait3A_114 : memref<160x64xf32, #tpu.memory_space<hbm>>) dst(%arg6 : memref<160x64xf32, #tpu.memory_space<vmem>>)
      %dma_wait3A_115 = arith.constant 0 : i32
      %dma_wait3A_116 = tpu.memref_slice %arg3[%add3A_110, %dma_wait3A_115] : memref<640000x64xf32, #tpu.memory_space<hbm>> -> memref<160x64xf32, #tpu.memory_space<hbm>>
      %dma_wait3A_117 = arith.constant 0 : i32
      %dma_wait3A_118 = tpu.memref_slice %arg3[%add3A_110, %dma_wait3A_117] : memref<640000x64xf32, #tpu.memory_space<hbm>> -> memref<160x64xf32, #tpu.memory_space<hbm>>
      tpu.wait_dma2 semaphore(%arg14 : memref<!tpu.dma_semaphore, #tpu.memory_space<semaphore_mem>>) src(%dma_wait3A_118 : memref<160x64xf32, #tpu.memory_space<hbm>>) dst(%arg8 : memref<160x64xf32, #tpu.memory_space<vmem>>)
      %convert_element_type3A_119 = arith.extui %ge3A_107 : i1 to i32
      %cond3A_120 = arith.constant 0 : i32
      %cond3A_121 = arith.cmpi ne, %convert_element_type3A_119, %cond3A_120 : i32
      scf.if %cond3A_121 {
        %mul3A_142 = arith.constant 160 : i32
        %mul3A_143 = arith.muli %add3A_105, %mul3A_142 : i32
        %add3A_144 = arith.addi %mul3A_2, %mul3A_143 : i32
        %dma_wait3A_145 = arith.constant 0 : i32
        %dma_wait3A_146 = tpu.memref_slice %arg4[%add3A_144, %dma_wait3A_145] : memref<640000x64xf32, #tpu.memory_space<hbm>> -> memref<160x64xf32, #tpu.memory_space<hbm>>
        %dma_wait3A_147 = arith.constant 0 : i32
        %dma_wait3A_148 = tpu.memref_slice %arg4[%add3A_144, %dma_wait3A_147] : memref<640000x64xf32, #tpu.memory_space<hbm>> -> memref<160x64xf32, #tpu.memory_space<hbm>>
        tpu.wait_dma2 semaphore(%arg16 : memref<!tpu.dma_semaphore, #tpu.memory_space<semaphore_mem>>) src(%arg10 : memref<160x64xf32, #tpu.memory_space<vmem>>) dst(%dma_wait3A_148 : memref<160x64xf32, #tpu.memory_space<hbm>>)
      } else {
      }
      %scan3A_122 = arith.constant 0 : i32
      %scan3A_123 = arith.constant 0 : i32
      %scan3A_124 = arith.constant 160 : i32
      %scan3A_125 = arith.addi %scan3A_123, %scan3A_124 : i32
      %scan3A_126 = arith.constant 4 : i32
      scf.for %scan3A_142 = %scan3A_123 to %scan3A_125 step %scan3A_126  : i32 {
        %get3A = arith.index_cast %scan3A_142 : i32 to index
        %get3A_143 = arith.constant 0 : index
        %get3A_144 = tpu.vector_load %arg6[%get3A, %get3A_143] {strides = array<i32>} : memref<160x64xf32, #tpu.memory_space<vmem>>, vector<1x16xf32>,
        %get3A_145 = vector.shape_cast %get3A_144 : vector<1x16xf32> to vector<16xf32>
        %get3A_146 = arith.index_cast %scan3A_142 : i32 to index
        %get3A_147 = arith.constant 16 : index
        %get3A_148 = tpu.vector_load %arg6[%get3A_146, %get3A_147] {strides = array<i32>} : memref<160x64xf32, #tpu.memory_space<vmem>>, vector<1x16xf32>,
        %get3A_149 = vector.shape_cast %get3A_148 : vector<1x16xf32> to vector<16xf32>
        %get3A_150 = arith.index_cast %scan3A_142 : i32 to index
        %get3A_151 = arith.constant 32 : index
        %get3A_152 = tpu.vector_load %arg6[%get3A_150, %get3A_151] {strides = array<i32>} : memref<160x64xf32, #tpu.memory_space<vmem>>, vector<1x16xf32>,
        %get3A_153 = vector.shape_cast %get3A_152 : vector<1x16xf32> to vector<16xf32>
        %get3A_154 = arith.index_cast %scan3A_142 : i32 to index
        %get3A_155 = arith.constant 48 : index
        %get3A_156 = tpu.vector_load %arg6[%get3A_154, %get3A_155] {strides = array<i32>} : memref<160x64xf32, #tpu.memory_space<vmem>>, vector<1x16xf32>,
        %get3A_157 = vector.shape_cast %get3A_156 : vector<1x16xf32> to vector<16xf32>
        %get3A_158 = arith.index_cast %scan3A_142 : i32 to index
        %get3A_159 = arith.constant 0 : index
        %get3A_160 = tpu.vector_load %arg8[%get3A_158, %get3A_159] {strides = array<i32>} : memref<160x64xf32, #tpu.memory_space<vmem>>, vector<1x16xf32>,
        %get3A_161 = vector.shape_cast %get3A_160 : vector<1x16xf32> to vector<16xf32>
        %get3A_162 = arith.index_cast %scan3A_142 : i32 to index
        %get3A_163 = arith.constant 16 : index
        %get3A_164 = tpu.vector_load %arg8[%get3A_162, %get3A_163] {strides = array<i32>} : memref<160x64xf32, #tpu.memory_space<vmem>>, vector<1x16xf32>,
        %get3A_165 = vector.shape_cast %get3A_164 : vector<1x16xf32> to vector<16xf32>
        %get3A_166 = arith.index_cast %scan3A_142 : i32 to index
        %get3A_167 = arith.constant 32 : index
        %get3A_168 = tpu.vector_load %arg8[%get3A_166, %get3A_167] {strides = array<i32>} : memref<160x64xf32, #tpu.memory_space<vmem>>, vector<1x16xf32>,
        %get3A_169 = vector.shape_cast %get3A_168 : vector<1x16xf32> to vector<16xf32>
        %get3A_170 = arith.index_cast %scan3A_142 : i32 to index
        %get3A_171 = arith.constant 48 : index
        %get3A_172 = tpu.vector_load %arg8[%get3A_170, %get3A_171] {strides = array<i32>} : memref<160x64xf32, #tpu.memory_space<vmem>>, vector<1x16xf32>,
        %get3A_173 = vector.shape_cast %get3A_172 : vector<1x16xf32> to vector<16xf32>
        %mul3A_174 = arith.mulf %get3A_145, %get3A_161 : vector<16xf32>
        %mul3A_175 = arith.mulf %get3A_153, %get3A_169 : vector<16xf32>
        %sub3A = arith.subf %mul3A_174, %mul3A_175 : vector<16xf32>
        %swap3A = arith.index_cast %scan3A_142 : i32 to index
        %swap3A_176 = arith.constant 0 : index
        %swap3A_177 = tpu.vector_load %arg10[%swap3A, %swap3A_176] {strides = array<i32>} : memref<160x64xf32, #tpu.memory_space<vmem>>, vector<1x16xf32>,
        %swap3A_178 = vector.shape_cast %swap3A_177 : vector<1x16xf32> to vector<16xf32>
        %swap3A_179 = vector.shape_cast %sub3A : vector<16xf32> to vector<1x16xf32>
        tpu.vector_store %arg10[%swap3A, %swap3A_176], %swap3A_179 {strides = array<i32>} : memref<160x64xf32, #tpu.memory_space<vmem>>, vector<1x16xf32>,
        %mul3A_180 = arith.mulf %get3A_149, %get3A_165 : vector<16xf32>
        %mul3A_181 = arith.mulf %get3A_157, %get3A_173 : vector<16xf32>
        %sub3A_182 = arith.subf %mul3A_180, %mul3A_181 : vector<16xf32>
        %swap3A_183 = arith.index_cast %scan3A_142 : i32 to index
        %swap3A_184 = arith.constant 16 : index
        %swap3A_185 = tpu.vector_load %arg10[%swap3A_183, %swap3A_184] {strides = array<i32>} : memref<160x64xf32, #tpu.memory_space<vmem>>, vector<1x16xf32>,
        %swap3A_186 = vector.shape_cast %swap3A_185 : vector<1x16xf32> to vector<16xf32>
        %swap3A_187 = vector.shape_cast %sub3A_182 : vector<16xf32> to vector<1x16xf32>
        tpu.vector_store %arg10[%swap3A_183, %swap3A_184], %swap3A_187 {strides = array<i32>} : memref<160x64xf32, #tpu.memory_space<vmem>>, vector<1x16xf32>,
        %mul3A_188 = arith.mulf %get3A_153, %get3A_161 : vector<16xf32>
        %mul3A_189 = arith.mulf %get3A_145, %get3A_169 : vector<16xf32>
        %add3A_190 = arith.addf %mul3A_188, %mul3A_189 : vector<16xf32>
        %swap3A_191 = arith.index_cast %scan3A_142 : i32 to index
        %swap3A_192 = arith.constant 32 : index
        %swap3A_193 = tpu.vector_load %arg10[%swap3A_191, %swap3A_192] {strides = array<i32>} : memref<160x64xf32, #tpu.memory_space<vmem>>, vector<1x16xf32>,
        %swap3A_194 = vector.shape_cast %swap3A_193 : vector<1x16xf32> to vector<16xf32>
        %swap3A_195 = vector.shape_cast %add3A_190 : vector<16xf32> to vector<1x16xf32>
        tpu.vector_store %arg10[%swap3A_191, %swap3A_192], %swap3A_195 {strides = array<i32>} : memref<160x64xf32, #tpu.memory_space<vmem>>, vector<1x16xf32>,
        %mul3A_196 = arith.mulf %get3A_157, %get3A_165 : vector<16xf32>
        %mul3A_197 = arith.mulf %get3A_149, %get3A_173 : vector<16xf32>
        %add3A_198 = arith.addf %mul3A_196, %mul3A_197 : vector<16xf32>
        %swap3A_199 = arith.index_cast %scan3A_142 : i32 to index
        %swap3A_200 = arith.constant 48 : index
        %swap3A_201 = tpu.vector_load %arg10[%swap3A_199, %swap3A_200] {strides = array<i32>} : memref<160x64xf32, #tpu.memory_space<vmem>>, vector<1x16xf32>,
        %swap3A_202 = vector.shape_cast %swap3A_201 : vector<1x16xf32> to vector<16xf32>
        %swap3A_203 = vector.shape_cast %add3A_198 : vector<16xf32> to vector<1x16xf32>
        tpu.vector_store %arg10[%swap3A_199, %swap3A_200], %swap3A_203 {strides = array<i32>} : memref<160x64xf32, #tpu.memory_space<vmem>>, vector<1x16xf32>,
        %scan3A_204 = arith.constant 1 : i32
        %scan3A_205 = arith.addi %scan3A_142, %scan3A_204 : i32
        %get3A_206 = arith.index_cast %scan3A_205 : i32 to index
        %get3A_207 = arith.constant 0 : index
        %get3A_208 = tpu.vector_load %arg6[%get3A_206, %get3A_207] {strides = array<i32>} : memref<160x64xf32, #tpu.memory_space<vmem>>, vector<1x16xf32>,
        %get3A_209 = vector.shape_cast %get3A_208 : vector<1x16xf32> to vector<16xf32>
        %get3A_210 = arith.index_cast %scan3A_205 : i32 to index
        %get3A_211 = arith.constant 16 : index
        %get3A_212 = tpu.vector_load %arg6[%get3A_210, %get3A_211] {strides = array<i32>} : memref<160x64xf32, #tpu.memory_space<vmem>>, vector<1x16xf32>,
        %get3A_213 = vector.shape_cast %get3A_212 : vector<1x16xf32> to vector<16xf32>
        %get3A_214 = arith.index_cast %scan3A_205 : i32 to index
        %get3A_215 = arith.constant 32 : index
        %get3A_216 = tpu.vector_load %arg6[%get3A_214, %get3A_215] {strides = array<i32>} : memref<160x64xf32, #tpu.memory_space<vmem>>, vector<1x16xf32>,
        %get3A_217 = vector.shape_cast %get3A_216 : vector<1x16xf32> to vector<16xf32>
        %get3A_218 = arith.index_cast %scan3A_205 : i32 to index
        %get3A_219 = arith.constant 48 : index
        %get3A_220 = tpu.vector_load %arg6[%get3A_218, %get3A_219] {strides = array<i32>} : memref<160x64xf32, #tpu.memory_space<vmem>>, vector<1x16xf32>,
        %get3A_221 = vector.shape_cast %get3A_220 : vector<1x16xf32> to vector<16xf32>
        %get3A_222 = arith.index_cast %scan3A_205 : i32 to index
        %get3A_223 = arith.constant 0 : index
        %get3A_224 = tpu.vector_load %arg8[%get3A_222, %get3A_223] {strides = array<i32>} : memref<160x64xf32, #tpu.memory_space<vmem>>, vector<1x16xf32>,
        %get3A_225 = vector.shape_cast %get3A_224 : vector<1x16xf32> to vector<16xf32>
        %get3A_226 = arith.index_cast %scan3A_205 : i32 to index
        %get3A_227 = arith.constant 16 : index
        %get3A_228 = tpu.vector_load %arg8[%get3A_226, %get3A_227] {strides = array<i32>} : memref<160x64xf32, #tpu.memory_space<vmem>>, vector<1x16xf32>,
        %get3A_229 = vector.shape_cast %get3A_228 : vector<1x16xf32> to vector<16xf32>
        %get3A_230 = arith.index_cast %scan3A_205 : i32 to index
        %get3A_231 = arith.constant 32 : index
        %get3A_232 = tpu.vector_load %arg8[%get3A_230, %get3A_231] {strides = array<i32>} : memref<160x64xf32, #tpu.memory_space<vmem>>, vector<1x16xf32>,
        %get3A_233 = vector.shape_cast %get3A_232 : vector<1x16xf32> to vector<16xf32>
        %get3A_234 = arith.index_cast %scan3A_205 : i32 to index
        %get3A_235 = arith.constant 48 : index
        %get3A_236 = tpu.vector_load %arg8[%get3A_234, %get3A_235] {strides = array<i32>} : memref<160x64xf32, #tpu.memory_space<vmem>>, vector<1x16xf32>,
        %get3A_237 = vector.shape_cast %get3A_236 : vector<1x16xf32> to vector<16xf32>
        %mul3A_238 = arith.mulf %get3A_209, %get3A_225 : vector<16xf32>
        %mul3A_239 = arith.mulf %get3A_217, %get3A_233 : vector<16xf32>
        %sub3A_240 = arith.subf %mul3A_238, %mul3A_239 : vector<16xf32>
        %swap3A_241 = arith.index_cast %scan3A_205 : i32 to index
        %swap3A_242 = arith.constant 0 : index
        %swap3A_243 = tpu.vector_load %arg10[%swap3A_241, %swap3A_242] {strides = array<i32>} : memref<160x64xf32, #tpu.memory_space<vmem>>, vector<1x16xf32>,
        %swap3A_244 = vector.shape_cast %swap3A_243 : vector<1x16xf32> to vector<16xf32>
        %swap3A_245 = vector.shape_cast %sub3A_240 : vector<16xf32> to vector<1x16xf32>
        tpu.vector_store %arg10[%swap3A_241, %swap3A_242], %swap3A_245 {strides = array<i32>} : memref<160x64xf32, #tpu.memory_space<vmem>>, vector<1x16xf32>,
        %mul3A_246 = arith.mulf %get3A_213, %get3A_229 : vector<16xf32>
        %mul3A_247 = arith.mulf %get3A_221, %get3A_237 : vector<16xf32>
        %sub3A_248 = arith.subf %mul3A_246, %mul3A_247 : vector<16xf32>
        %swap3A_249 = arith.index_cast %scan3A_205 : i32 to index
        %swap3A_250 = arith.constant 16 : index
        %swap3A_251 = tpu.vector_load %arg10[%swap3A_249, %swap3A_250] {strides = array<i32>} : memref<160x64xf32, #tpu.memory_space<vmem>>, vector<1x16xf32>,
        %swap3A_252 = vector.shape_cast %swap3A_251 : vector<1x16xf32> to vector<16xf32>
        %swap3A_253 = vector.shape_cast %sub3A_248 : vector<16xf32> to vector<1x16xf32>
        tpu.vector_store %arg10[%swap3A_249, %swap3A_250], %swap3A_253 {strides = array<i32>} : memref<160x64xf32, #tpu.memory_space<vmem>>, vector<1x16xf32>,
        %mul3A_254 = arith.mulf %get3A_217, %get3A_225 : vector<16xf32>
        %mul3A_255 = arith.mulf %get3A_209, %get3A_233 : vector<16xf32>
        %add3A_256 = arith.addf %mul3A_254, %mul3A_255 : vector<16xf32>
        %swap3A_257 = arith.index_cast %scan3A_205 : i32 to index
        %swap3A_258 = arith.constant 32 : index
        %swap3A_259 = tpu.vector_load %arg10[%swap3A_257, %swap3A_258] {strides = array<i32>} : memref<160x64xf32, #tpu.memory_space<vmem>>, vector<1x16xf32>,
        %swap3A_260 = vector.shape_cast %swap3A_259 : vector<1x16xf32> to vector<16xf32>
        %swap3A_261 = vector.shape_cast %add3A_256 : vector<16xf32> to vector<1x16xf32>
        tpu.vector_store %arg10[%swap3A_257, %swap3A_258], %swap3A_261 {strides = array<i32>} : memref<160x64xf32, #tpu.memory_space<vmem>>, vector<1x16xf32>,
        %mul3A_262 = arith.mulf %get3A_221, %get3A_229 : vector<16xf32>
        %mul3A_263 = arith.mulf %get3A_213, %get3A_237 : vector<16xf32>
        %add3A_264 = arith.addf %mul3A_262, %mul3A_263 : vector<16xf32>
        %swap3A_265 = arith.index_cast %scan3A_205 : i32 to index
        %swap3A_266 = arith.constant 48 : index
        %swap3A_267 = tpu.vector_load %arg10[%swap3A_265, %swap3A_266] {strides = array<i32>} : memref<160x64xf32, #tpu.memory_space<vmem>>, vector<1x16xf32>,
        %swap3A_268 = vector.shape_cast %swap3A_267 : vector<1x16xf32> to vector<16xf32>
        %swap3A_269 = vector.shape_cast %add3A_264 : vector<16xf32> to vector<1x16xf32>
        tpu.vector_store %arg10[%swap3A_265, %swap3A_266], %swap3A_269 {strides = array<i32>} : memref<160x64xf32, #tpu.memory_space<vmem>>, vector<1x16xf32>,
        %scan3A_270 = arith.constant 2 : i32
        %scan3A_271 = arith.addi %scan3A_142, %scan3A_270 : i32
        %get3A_272 = arith.index_cast %scan3A_271 : i32 to index
        %get3A_273 = arith.constant 0 : index
        %get3A_274 = tpu.vector_load %arg6[%get3A_272, %get3A_273] {strides = array<i32>} : memref<160x64xf32, #tpu.memory_space<vmem>>, vector<1x16xf32>,
        %get3A_275 = vector.shape_cast %get3A_274 : vector<1x16xf32> to vector<16xf32>
        %get3A_276 = arith.index_cast %scan3A_271 : i32 to index
        %get3A_277 = arith.constant 16 : index
        %get3A_278 = tpu.vector_load %arg6[%get3A_276, %get3A_277] {strides = array<i32>} : memref<160x64xf32, #tpu.memory_space<vmem>>, vector<1x16xf32>,
        %get3A_279 = vector.shape_cast %get3A_278 : vector<1x16xf32> to vector<16xf32>
        %get3A_280 = arith.index_cast %scan3A_271 : i32 to index
        %get3A_281 = arith.constant 32 : index
        %get3A_282 = tpu.vector_load %arg6[%get3A_280, %get3A_281] {strides = array<i32>} : memref<160x64xf32, #tpu.memory_space<vmem>>, vector<1x16xf32>,
        %get3A_283 = vector.shape_cast %get3A_282 : vector<1x16xf32> to vector<16xf32>
        %get3A_284 = arith.index_cast %scan3A_271 : i32 to index
        %get3A_285 = arith.constant 48 : index
        %get3A_286 = tpu.vector_load %arg6[%get3A_284, %get3A_285] {strides = array<i32>} : memref<160x64xf32, #tpu.memory_space<vmem>>, vector<1x16xf32>,
        %get3A_287 = vector.shape_cast %get3A_286 : vector<1x16xf32> to vector<16xf32>
        %get3A_288 = arith.index_cast %scan3A_271 : i32 to index
        %get3A_289 = arith.constant 0 : index
        %get3A_290 = tpu.vector_load %arg8[%get3A_288, %get3A_289] {strides = array<i32>} : memref<160x64xf32, #tpu.memory_space<vmem>>, vector<1x16xf32>,
        %get3A_291 = vector.shape_cast %get3A_290 : vector<1x16xf32> to vector<16xf32>
        %get3A_292 = arith.index_cast %scan3A_271 : i32 to index
        %get3A_293 = arith.constant 16 : index
        %get3A_294 = tpu.vector_load %arg8[%get3A_292, %get3A_293] {strides = array<i32>} : memref<160x64xf32, #tpu.memory_space<vmem>>, vector<1x16xf32>,
        %get3A_295 = vector.shape_cast %get3A_294 : vector<1x16xf32> to vector<16xf32>
        %get3A_296 = arith.index_cast %scan3A_271 : i32 to index
        %get3A_297 = arith.constant 32 : index
        %get3A_298 = tpu.vector_load %arg8[%get3A_296, %get3A_297] {strides = array<i32>} : memref<160x64xf32, #tpu.memory_space<vmem>>, vector<1x16xf32>,
        %get3A_299 = vector.shape_cast %get3A_298 : vector<1x16xf32> to vector<16xf32>
        %get3A_300 = arith.index_cast %scan3A_271 : i32 to index
        %get3A_301 = arith.constant 48 : index
        %get3A_302 = tpu.vector_load %arg8[%get3A_300, %get3A_301] {strides = array<i32>} : memref<160x64xf32, #tpu.memory_space<vmem>>, vector<1x16xf32>,
        %get3A_303 = vector.shape_cast %get3A_302 : vector<1x16xf32> to vector<16xf32>
        %mul3A_304 = arith.mulf %get3A_275, %get3A_291 : vector<16xf32>
        %mul3A_305 = arith.mulf %get3A_283, %get3A_299 : vector<16xf32>
        %sub3A_306 = arith.subf %mul3A_304, %mul3A_305 : vector<16xf32>
        %swap3A_307 = arith.index_cast %scan3A_271 : i32 to index
        %swap3A_308 = arith.constant 0 : index
        %swap3A_309 = tpu.vector_load %arg10[%swap3A_307, %swap3A_308] {strides = array<i32>} : memref<160x64xf32, #tpu.memory_space<vmem>>, vector<1x16xf32>,
        %swap3A_310 = vector.shape_cast %swap3A_309 : vector<1x16xf32> to vector<16xf32>
        %swap3A_311 = vector.shape_cast %sub3A_306 : vector<16xf32> to vector<1x16xf32>
        tpu.vector_store %arg10[%swap3A_307, %swap3A_308], %swap3A_311 {strides = array<i32>} : memref<160x64xf32, #tpu.memory_space<vmem>>, vector<1x16xf32>,
        %mul3A_312 = arith.mulf %get3A_279, %get3A_295 : vector<16xf32>
        %mul3A_313 = arith.mulf %get3A_287, %get3A_303 : vector<16xf32>
        %sub3A_314 = arith.subf %mul3A_312, %mul3A_313 : vector<16xf32>
        %swap3A_315 = arith.index_cast %scan3A_271 : i32 to index
        %swap3A_316 = arith.constant 16 : index
        %swap3A_317 = tpu.vector_load %arg10[%swap3A_315, %swap3A_316] {strides = array<i32>} : memref<160x64xf32, #tpu.memory_space<vmem>>, vector<1x16xf32>,
        %swap3A_318 = vector.shape_cast %swap3A_317 : vector<1x16xf32> to vector<16xf32>
        %swap3A_319 = vector.shape_cast %sub3A_314 : vector<16xf32> to vector<1x16xf32>
        tpu.vector_store %arg10[%swap3A_315, %swap3A_316], %swap3A_319 {strides = array<i32>} : memref<160x64xf32, #tpu.memory_space<vmem>>, vector<1x16xf32>,
        %mul3A_320 = arith.mulf %get3A_283, %get3A_291 : vector<16xf32>
        %mul3A_321 = arith.mulf %get3A_275, %get3A_299 : vector<16xf32>
        %add3A_322 = arith.addf %mul3A_320, %mul3A_321 : vector<16xf32>
        %swap3A_323 = arith.index_cast %scan3A_271 : i32 to index
        %swap3A_324 = arith.constant 32 : index
        %swap3A_325 = tpu.vector_load %arg10[%swap3A_323, %swap3A_324] {strides = array<i32>} : memref<160x64xf32, #tpu.memory_space<vmem>>, vector<1x16xf32>,
        %swap3A_326 = vector.shape_cast %swap3A_325 : vector<1x16xf32> to vector<16xf32>
        %swap3A_327 = vector.shape_cast %add3A_322 : vector<16xf32> to vector<1x16xf32>
        tpu.vector_store %arg10[%swap3A_323, %swap3A_324], %swap3A_327 {strides = array<i32>} : memref<160x64xf32, #tpu.memory_space<vmem>>, vector<1x16xf32>,
        %mul3A_328 = arith.mulf %get3A_287, %get3A_295 : vector<16xf32>
        %mul3A_329 = arith.mulf %get3A_279, %get3A_303 : vector<16xf32>
        %add3A_330 = arith.addf %mul3A_328, %mul3A_329 : vector<16xf32>
        %swap3A_331 = arith.index_cast %scan3A_271 : i32 to index
        %swap3A_332 = arith.constant 48 : index
        %swap3A_333 = tpu.vector_load %arg10[%swap3A_331, %swap3A_332] {strides = array<i32>} : memref<160x64xf32, #tpu.memory_space<vmem>>, vector<1x16xf32>,
        %swap3A_334 = vector.shape_cast %swap3A_333 : vector<1x16xf32> to vector<16xf32>
        %swap3A_335 = vector.shape_cast %add3A_330 : vector<16xf32> to vector<1x16xf32>
        tpu.vector_store %arg10[%swap3A_331, %swap3A_332], %swap3A_335 {strides = array<i32>} : memref<160x64xf32, #tpu.memory_space<vmem>>, vector<1x16xf32>,
        %scan3A_336 = arith.constant 3 : i32
        %scan3A_337 = arith.addi %scan3A_142, %scan3A_336 : i32
        %get3A_338 = arith.index_cast %scan3A_337 : i32 to index
        %get3A_339 = arith.constant 0 : index
        %get3A_340 = tpu.vector_load %arg6[%get3A_338, %get3A_339] {strides = array<i32>} : memref<160x64xf32, #tpu.memory_space<vmem>>, vector<1x16xf32>,
        %get3A_341 = vector.shape_cast %get3A_340 : vector<1x16xf32> to vector<16xf32>
        %get3A_342 = arith.index_cast %scan3A_337 : i32 to index
        %get3A_343 = arith.constant 16 : index
        %get3A_344 = tpu.vector_load %arg6[%get3A_342, %get3A_343] {strides = array<i32>} : memref<160x64xf32, #tpu.memory_space<vmem>>, vector<1x16xf32>,
        %get3A_345 = vector.shape_cast %get3A_344 : vector<1x16xf32> to vector<16xf32>
        %get3A_346 = arith.index_cast %scan3A_337 : i32 to index
        %get3A_347 = arith.constant 32 : index
        %get3A_348 = tpu.vector_load %arg6[%get3A_346, %get3A_347] {strides = array<i32>} : memref<160x64xf32, #tpu.memory_space<vmem>>, vector<1x16xf32>,
        %get3A_349 = vector.shape_cast %get3A_348 : vector<1x16xf32> to vector<16xf32>
        %get3A_350 = arith.index_cast %scan3A_337 : i32 to index
        %get3A_351 = arith.constant 48 : index
        %get3A_352 = tpu.vector_load %arg6[%get3A_350, %get3A_351] {strides = array<i32>} : memref<160x64xf32, #tpu.memory_space<vmem>>, vector<1x16xf32>,
        %get3A_353 = vector.shape_cast %get3A_352 : vector<1x16xf32> to vector<16xf32>
        %get3A_354 = arith.index_cast %scan3A_337 : i32 to index
        %get3A_355 = arith.constant 0 : index
        %get3A_356 = tpu.vector_load %arg8[%get3A_354, %get3A_355] {strides = array<i32>} : memref<160x64xf32, #tpu.memory_space<vmem>>, vector<1x16xf32>,
        %get3A_357 = vector.shape_cast %get3A_356 : vector<1x16xf32> to vector<16xf32>
        %get3A_358 = arith.index_cast %scan3A_337 : i32 to index
        %get3A_359 = arith.constant 16 : index
        %get3A_360 = tpu.vector_load %arg8[%get3A_358, %get3A_359] {strides = array<i32>} : memref<160x64xf32, #tpu.memory_space<vmem>>, vector<1x16xf32>,
        %get3A_361 = vector.shape_cast %get3A_360 : vector<1x16xf32> to vector<16xf32>
        %get3A_362 = arith.index_cast %scan3A_337 : i32 to index
        %get3A_363 = arith.constant 32 : index
        %get3A_364 = tpu.vector_load %arg8[%get3A_362, %get3A_363] {strides = array<i32>} : memref<160x64xf32, #tpu.memory_space<vmem>>, vector<1x16xf32>,
        %get3A_365 = vector.shape_cast %get3A_364 : vector<1x16xf32> to vector<16xf32>
        %get3A_366 = arith.index_cast %scan3A_337 : i32 to index
        %get3A_367 = arith.constant 48 : index
        %get3A_368 = tpu.vector_load %arg8[%get3A_366, %get3A_367] {strides = array<i32>} : memref<160x64xf32, #tpu.memory_space<vmem>>, vector<1x16xf32>,
        %get3A_369 = vector.shape_cast %get3A_368 : vector<1x16xf32> to vector<16xf32>
        %mul3A_370 = arith.mulf %get3A_341, %get3A_357 : vector<16xf32>
        %mul3A_371 = arith.mulf %get3A_349, %get3A_365 : vector<16xf32>
        %sub3A_372 = arith.subf %mul3A_370, %mul3A_371 : vector<16xf32>
        %swap3A_373 = arith.index_cast %scan3A_337 : i32 to index
        %swap3A_374 = arith.constant 0 : index
        %swap3A_375 = tpu.vector_load %arg10[%swap3A_373, %swap3A_374] {strides = array<i32>} : memref<160x64xf32, #tpu.memory_space<vmem>>, vector<1x16xf32>,
        %swap3A_376 = vector.shape_cast %swap3A_375 : vector<1x16xf32> to vector<16xf32>
        %swap3A_377 = vector.shape_cast %sub3A_372 : vector<16xf32> to vector<1x16xf32>
        tpu.vector_store %arg10[%swap3A_373, %swap3A_374], %swap3A_377 {strides = array<i32>} : memref<160x64xf32, #tpu.memory_space<vmem>>, vector<1x16xf32>,
        %mul3A_378 = arith.mulf %get3A_345, %get3A_361 : vector<16xf32>
        %mul3A_379 = arith.mulf %get3A_353, %get3A_369 : vector<16xf32>
        %sub3A_380 = arith.subf %mul3A_378, %mul3A_379 : vector<16xf32>
        %swap3A_381 = arith.index_cast %scan3A_337 : i32 to index
        %swap3A_382 = arith.constant 16 : index
        %swap3A_383 = tpu.vector_load %arg10[%swap3A_381, %swap3A_382] {strides = array<i32>} : memref<160x64xf32, #tpu.memory_space<vmem>>, vector<1x16xf32>,
        %swap3A_384 = vector.shape_cast %swap3A_383 : vector<1x16xf32> to vector<16xf32>
        %swap3A_385 = vector.shape_cast %sub3A_380 : vector<16xf32> to vector<1x16xf32>
        tpu.vector_store %arg10[%swap3A_381, %swap3A_382], %swap3A_385 {strides = array<i32>} : memref<160x64xf32, #tpu.memory_space<vmem>>, vector<1x16xf32>,
        %mul3A_386 = arith.mulf %get3A_349, %get3A_357 : vector<16xf32>
        %mul3A_387 = arith.mulf %get3A_341, %get3A_365 : vector<16xf32>
        %add3A_388 = arith.addf %mul3A_386, %mul3A_387 : vector<16xf32>
        %swap3A_389 = arith.index_cast %scan3A_337 : i32 to index
        %swap3A_390 = arith.constant 32 : index
        %swap3A_391 = tpu.vector_load %arg10[%swap3A_389, %swap3A_390] {strides = array<i32>} : memref<160x64xf32, #tpu.memory_space<vmem>>, vector<1x16xf32>,
        %swap3A_392 = vector.shape_cast %swap3A_391 : vector<1x16xf32> to vector<16xf32>
        %swap3A_393 = vector.shape_cast %add3A_388 : vector<16xf32> to vector<1x16xf32>
        tpu.vector_store %arg10[%swap3A_389, %swap3A_390], %swap3A_393 {strides = array<i32>} : memref<160x64xf32, #tpu.memory_space<vmem>>, vector<1x16xf32>,
        %mul3A_394 = arith.mulf %get3A_353, %get3A_361 : vector<16xf32>
        %mul3A_395 = arith.mulf %get3A_345, %get3A_369 : vector<16xf32>
        %add3A_396 = arith.addf %mul3A_394, %mul3A_395 : vector<16xf32>
        %swap3A_397 = arith.index_cast %scan3A_337 : i32 to index
        %swap3A_398 = arith.constant 48 : index
        %swap3A_399 = tpu.vector_load %arg10[%swap3A_397, %swap3A_398] {strides = array<i32>} : memref<160x64xf32, #tpu.memory_space<vmem>>, vector<1x16xf32>,
        %swap3A_400 = vector.shape_cast %swap3A_399 : vector<1x16xf32> to vector<16xf32>
        %swap3A_401 = vector.shape_cast %add3A_396 : vector<16xf32> to vector<1x16xf32>
        tpu.vector_store %arg10[%swap3A_397, %swap3A_398], %swap3A_401 {strides = array<i32>} : memref<160x64xf32, #tpu.memory_space<vmem>>, vector<1x16xf32>,
      }
      %scan3A_127 = arith.constant 160 : i32
      %mul3A_128 = arith.constant 160 : i32
      %mul3A_129 = arith.muli %add3A_105, %mul3A_128 : i32
      %add3A_130 = arith.addi %mul3A_2, %mul3A_129 : i32
      %dma_start3A_131 = arith.constant 0 : i32
      %dma_start3A_132 = tpu.memref_slice %arg4[%add3A_130, %dma_start3A_131] : memref<640000x64xf32, #tpu.memory_space<hbm>> -> memref<160x64xf32, #tpu.memory_space<hbm>>
      %dma_start3A_133 = arith.constant 0 : i32
      %dma_start3A_134 = tpu.memref_slice %arg4[%add3A_130, %dma_start3A_133] : memref<640000x64xf32, #tpu.memory_space<hbm>> -> memref<160x64xf32, #tpu.memory_space<hbm>>
      tpu.enqueue_dma source(%arg10 : memref<160x64xf32, #tpu.memory_space<vmem>>) target(%dma_start3A_134 : memref<160x64xf32, #tpu.memory_space<hbm>>) target_semaphore(%arg16 : memref<!tpu.dma_semaphore, #tpu.memory_space<semaphore_mem>>)
      %add3A_135 = arith.constant 2 : i32
      %add3A_136 = arith.addi %add3A_105, %add3A_135 : i32
      %lt3A_137 = arith.constant 125 : i32
      %lt3A_138 = arith.cmpi slt, %add3A_136, %lt3A_137 : i32
      %convert_element_type3A_139 = arith.extui %lt3A_138 : i1 to i32
      %cond3A_140 = arith.constant 0 : i32
      %cond3A_141 = arith.cmpi ne, %convert_element_type3A_139, %cond3A_140 : i32
      scf.if %cond3A_141 {
        %add3A_142 = arith.constant 2 : i32
        %add3A_143 = arith.addi %add3A_105, %add3A_142 : i32
        %mul3A_144 = arith.constant 160 : i32
        %mul3A_145 = arith.muli %add3A_143, %mul3A_144 : i32
        %add3A_146 = arith.addi %mul3A_2, %mul3A_145 : i32
        %dma_start3A_147 = arith.constant 0 : i32
        %dma_start3A_148 = tpu.memref_slice %arg2[%add3A_146, %dma_start3A_147] : memref<640000x64xf32, #tpu.memory_space<hbm>> -> memref<160x64xf32, #tpu.memory_space<hbm>>
        %dma_start3A_149 = arith.constant 0 : i32
        %dma_start3A_150 = tpu.memref_slice %arg2[%add3A_146, %dma_start3A_149] : memref<640000x64xf32, #tpu.memory_space<hbm>> -> memref<160x64xf32, #tpu.memory_space<hbm>>
        tpu.enqueue_dma source(%dma_start3A_150 : memref<160x64xf32, #tpu.memory_space<hbm>>) target(%arg6 : memref<160x64xf32, #tpu.memory_space<vmem>>) target_semaphore(%arg12 : memref<!tpu.dma_semaphore, #tpu.memory_space<semaphore_mem>>)
        %dma_start3A_151 = arith.constant 0 : i32
        %dma_start3A_152 = tpu.memref_slice %arg3[%add3A_146, %dma_start3A_151] : memref<640000x64xf32, #tpu.memory_space<hbm>> -> memref<160x64xf32, #tpu.memory_space<hbm>>
        %dma_start3A_153 = arith.constant 0 : i32
        %dma_start3A_154 = tpu.memref_slice %arg3[%add3A_146, %dma_start3A_153] : memref<640000x64xf32, #tpu.memory_space<hbm>> -> memref<160x64xf32, #tpu.memory_space<hbm>>
        tpu.enqueue_dma source(%dma_start3A_154 : memref<160x64xf32, #tpu.memory_space<hbm>>) target(%arg8 : memref<160x64xf32, #tpu.memory_space<vmem>>) target_semaphore(%arg14 : memref<!tpu.dma_semaphore, #tpu.memory_space<semaphore_mem>>)
      } else {
      }
    }
    %scan3A_26 = arith.constant 62 : i32
    %add3A_27 = arith.constant 19840 : i32
    %add3A_28 = arith.addi %mul3A_2, %add3A_27 : i32
    %dma_wait3A = arith.constant 0 : i32
    %dma_wait3A_29 = tpu.memref_slice %arg2[%add3A_28, %dma_wait3A] : memref<640000x64xf32, #tpu.memory_space<hbm>> -> memref<160x64xf32, #tpu.memory_space<hbm>>
    %dma_wait3A_30 = arith.constant 0 : i32
    %dma_wait3A_31 = tpu.memref_slice %arg2[%add3A_28, %dma_wait3A_30] : memref<640000x64xf32, #tpu.memory_space<hbm>> -> memref<160x64xf32, #tpu.memory_space<hbm>>
    tpu.wait_dma2 semaphore(%arg11 : memref<!tpu.dma_semaphore, #tpu.memory_space<semaphore_mem>>) src(%dma_wait3A_31 : memref<160x64xf32, #tpu.memory_space<hbm>>) dst(%arg5 : memref<160x64xf32, #tpu.memory_space<vmem>>)
    %dma_wait3A_32 = arith.constant 0 : i32
    %dma_wait3A_33 = tpu.memref_slice %arg3[%add3A_28, %dma_wait3A_32] : memref<640000x64xf32, #tpu.memory_space<hbm>> -> memref<160x64xf32, #tpu.memory_space<hbm>>
    %dma_wait3A_34 = arith.constant 0 : i32
    %dma_wait3A_35 = tpu.memref_slice %arg3[%add3A_28, %dma_wait3A_34] : memref<640000x64xf32, #tpu.memory_space<hbm>> -> memref<160x64xf32, #tpu.memory_space<hbm>>
    tpu.wait_dma2 semaphore(%arg13 : memref<!tpu.dma_semaphore, #tpu.memory_space<semaphore_mem>>) src(%dma_wait3A_35 : memref<160x64xf32, #tpu.memory_space<hbm>>) dst(%arg7 : memref<160x64xf32, #tpu.memory_space<vmem>>)
    %cond3A = arith.constant 1 : i32
    %add3A_36 = arith.constant 19840 : i32
    %add3A_37 = arith.addi %mul3A_2, %add3A_36 : i32
    %dma_wait3A_38 = arith.constant 0 : i32
    %dma_wait3A_39 = tpu.memref_slice %arg4[%add3A_37, %dma_wait3A_38] : memref<640000x64xf32, #tpu.memory_space<hbm>> -> memref<160x64xf32, #tpu.memory_space<hbm>>
    %dma_wait3A_40 = arith.constant 0 : i32
    %dma_wait3A_41 = tpu.memref_slice %arg4[%add3A_37, %dma_wait3A_40] : memref<640000x64xf32, #tpu.memory_space<hbm>> -> memref<160x64xf32, #tpu.memory_space<hbm>>
    tpu.wait_dma2 semaphore(%arg15 : memref<!tpu.dma_semaphore, #tpu.memory_space<semaphore_mem>>) src(%arg9 : memref<160x64xf32, #tpu.memory_space<vmem>>) dst(%dma_wait3A_41 : memref<160x64xf32, #tpu.memory_space<hbm>>)
    %scan3A_42 = arith.constant 0 : i32
    %scan3A_43 = arith.constant 0 : i32
    %scan3A_44 = arith.constant 160 : i32
    %scan3A_45 = arith.addi %scan3A_43, %scan3A_44 : i32
    %scan3A_46 = arith.constant 4 : i32
    scf.for %scan3A_66 = %scan3A_43 to %scan3A_45 step %scan3A_46  : i32 {
      %get3A = arith.index_cast %scan3A_66 : i32 to index
      %get3A_67 = arith.constant 0 : index
      %get3A_68 = tpu.vector_load %arg5[%get3A, %get3A_67] {strides = array<i32>} : memref<160x64xf32, #tpu.memory_space<vmem>>, vector<1x16xf32>,
      %get3A_69 = vector.shape_cast %get3A_68 : vector<1x16xf32> to vector<16xf32>
      %get3A_70 = arith.index_cast %scan3A_66 : i32 to index
      %get3A_71 = arith.constant 16 : index
      %get3A_72 = tpu.vector_load %arg5[%get3A_70, %get3A_71] {strides = array<i32>} : memref<160x64xf32, #tpu.memory_space<vmem>>, vector<1x16xf32>,
      %get3A_73 = vector.shape_cast %get3A_72 : vector<1x16xf32> to vector<16xf32>
      %get3A_74 = arith.index_cast %scan3A_66 : i32 to index
      %get3A_75 = arith.constant 32 : index
      %get3A_76 = tpu.vector_load %arg5[%get3A_74, %get3A_75] {strides = array<i32>} : memref<160x64xf32, #tpu.memory_space<vmem>>, vector<1x16xf32>,
      %get3A_77 = vector.shape_cast %get3A_76 : vector<1x16xf32> to vector<16xf32>
      %get3A_78 = arith.index_cast %scan3A_66 : i32 to index
      %get3A_79 = arith.constant 48 : index
      %get3A_80 = tpu.vector_load %arg5[%get3A_78, %get3A_79] {strides = array<i32>} : memref<160x64xf32, #tpu.memory_space<vmem>>, vector<1x16xf32>,
      %get3A_81 = vector.shape_cast %get3A_80 : vector<1x16xf32> to vector<16xf32>
      %get3A_82 = arith.index_cast %scan3A_66 : i32 to index
      %get3A_83 = arith.constant 0 : index
      %get3A_84 = tpu.vector_load %arg7[%get3A_82, %get3A_83] {strides = array<i32>} : memref<160x64xf32, #tpu.memory_space<vmem>>, vector<1x16xf32>,
      %get3A_85 = vector.shape_cast %get3A_84 : vector<1x16xf32> to vector<16xf32>
      %get3A_86 = arith.index_cast %scan3A_66 : i32 to index
      %get3A_87 = arith.constant 16 : index
      %get3A_88 = tpu.vector_load %arg7[%get3A_86, %get3A_87] {strides = array<i32>} : memref<160x64xf32, #tpu.memory_space<vmem>>, vector<1x16xf32>,
      %get3A_89 = vector.shape_cast %get3A_88 : vector<1x16xf32> to vector<16xf32>
      %get3A_90 = arith.index_cast %scan3A_66 : i32 to index
      %get3A_91 = arith.constant 32 : index
      %get3A_92 = tpu.vector_load %arg7[%get3A_90, %get3A_91] {strides = array<i32>} : memref<160x64xf32, #tpu.memory_space<vmem>>, vector<1x16xf32>,
      %get3A_93 = vector.shape_cast %get3A_92 : vector<1x16xf32> to vector<16xf32>
      %get3A_94 = arith.index_cast %scan3A_66 : i32 to index
      %get3A_95 = arith.constant 48 : index
      %get3A_96 = tpu.vector_load %arg7[%get3A_94, %get3A_95] {strides = array<i32>} : memref<160x64xf32, #tpu.memory_space<vmem>>, vector<1x16xf32>,
      %get3A_97 = vector.shape_cast %get3A_96 : vector<1x16xf32> to vector<16xf32>
      %mul3A_98 = arith.mulf %get3A_69, %get3A_85 : vector<16xf32>
      %mul3A_99 = arith.mulf %get3A_77, %get3A_93 : vector<16xf32>
      %sub3A = arith.subf %mul3A_98, %mul3A_99 : vector<16xf32>
      %swap3A = arith.index_cast %scan3A_66 : i32 to index
      %swap3A_100 = arith.constant 0 : index
      %swap3A_101 = tpu.vector_load %arg9[%swap3A, %swap3A_100] {strides = array<i32>} : memref<160x64xf32, #tpu.memory_space<vmem>>, vector<1x16xf32>,
      %swap3A_102 = vector.shape_cast %swap3A_101 : vector<1x16xf32> to vector<16xf32>
      %swap3A_103 = vector.shape_cast %sub3A : vector<16xf32> to vector<1x16xf32>
      tpu.vector_store %arg9[%swap3A, %swap3A_100], %swap3A_103 {strides = array<i32>} : memref<160x64xf32, #tpu.memory_space<vmem>>, vector<1x16xf32>,
      %mul3A_104 = arith.mulf %get3A_73, %get3A_89 : vector<16xf32>
      %mul3A_105 = arith.mulf %get3A_81, %get3A_97 : vector<16xf32>
      %sub3A_106 = arith.subf %mul3A_104, %mul3A_105 : vector<16xf32>
      %swap3A_107 = arith.index_cast %scan3A_66 : i32 to index
      %swap3A_108 = arith.constant 16 : index
      %swap3A_109 = tpu.vector_load %arg9[%swap3A_107, %swap3A_108] {strides = array<i32>} : memref<160x64xf32, #tpu.memory_space<vmem>>, vector<1x16xf32>,
      %swap3A_110 = vector.shape_cast %swap3A_109 : vector<1x16xf32> to vector<16xf32>
      %swap3A_111 = vector.shape_cast %sub3A_106 : vector<16xf32> to vector<1x16xf32>
      tpu.vector_store %arg9[%swap3A_107, %swap3A_108], %swap3A_111 {strides = array<i32>} : memref<160x64xf32, #tpu.memory_space<vmem>>, vector<1x16xf32>,
      %mul3A_112 = arith.mulf %get3A_77, %get3A_85 : vector<16xf32>
      %mul3A_113 = arith.mulf %get3A_69, %get3A_93 : vector<16xf32>
      %add3A_114 = arith.addf %mul3A_112, %mul3A_113 : vector<16xf32>
      %swap3A_115 = arith.index_cast %scan3A_66 : i32 to index
      %swap3A_116 = arith.constant 32 : index
      %swap3A_117 = tpu.vector_load %arg9[%swap3A_115, %swap3A_116] {strides = array<i32>} : memref<160x64xf32, #tpu.memory_space<vmem>>, vector<1x16xf32>,
      %swap3A_118 = vector.shape_cast %swap3A_117 : vector<1x16xf32> to vector<16xf32>
      %swap3A_119 = vector.shape_cast %add3A_114 : vector<16xf32> to vector<1x16xf32>
      tpu.vector_store %arg9[%swap3A_115, %swap3A_116], %swap3A_119 {strides = array<i32>} : memref<160x64xf32, #tpu.memory_space<vmem>>, vector<1x16xf32>,
      %mul3A_120 = arith.mulf %get3A_81, %get3A_89 : vector<16xf32>
      %mul3A_121 = arith.mulf %get3A_73, %get3A_97 : vector<16xf32>
      %add3A_122 = arith.addf %mul3A_120, %mul3A_121 : vector<16xf32>
      %swap3A_123 = arith.index_cast %scan3A_66 : i32 to index
      %swap3A_124 = arith.constant 48 : index
      %swap3A_125 = tpu.vector_load %arg9[%swap3A_123, %swap3A_124] {strides = array<i32>} : memref<160x64xf32, #tpu.memory_space<vmem>>, vector<1x16xf32>,
      %swap3A_126 = vector.shape_cast %swap3A_125 : vector<1x16xf32> to vector<16xf32>
      %swap3A_127 = vector.shape_cast %add3A_122 : vector<16xf32> to vector<1x16xf32>
      tpu.vector_store %arg9[%swap3A_123, %swap3A_124], %swap3A_127 {strides = array<i32>} : memref<160x64xf32, #tpu.memory_space<vmem>>, vector<1x16xf32>,
      %scan3A_128 = arith.constant 1 : i32
      %scan3A_129 = arith.addi %scan3A_66, %scan3A_128 : i32
      %get3A_130 = arith.index_cast %scan3A_129 : i32 to index
      %get3A_131 = arith.constant 0 : index
      %get3A_132 = tpu.vector_load %arg5[%get3A_130, %get3A_131] {strides = array<i32>} : memref<160x64xf32, #tpu.memory_space<vmem>>, vector<1x16xf32>,
      %get3A_133 = vector.shape_cast %get3A_132 : vector<1x16xf32> to vector<16xf32>
      %get3A_134 = arith.index_cast %scan3A_129 : i32 to index
      %get3A_135 = arith.constant 16 : index
      %get3A_136 = tpu.vector_load %arg5[%get3A_134, %get3A_135] {strides = array<i32>} : memref<160x64xf32, #tpu.memory_space<vmem>>, vector<1x16xf32>,
      %get3A_137 = vector.shape_cast %get3A_136 : vector<1x16xf32> to vector<16xf32>
      %get3A_138 = arith.index_cast %scan3A_129 : i32 to index
      %get3A_139 = arith.constant 32 : index
      %get3A_140 = tpu.vector_load %arg5[%get3A_138, %get3A_139] {strides = array<i32>} : memref<160x64xf32, #tpu.memory_space<vmem>>, vector<1x16xf32>,
      %get3A_141 = vector.shape_cast %get3A_140 : vector<1x16xf32> to vector<16xf32>
      %get3A_142 = arith.index_cast %scan3A_129 : i32 to index
      %get3A_143 = arith.constant 48 : index
      %get3A_144 = tpu.vector_load %arg5[%get3A_142, %get3A_143] {strides = array<i32>} : memref<160x64xf32, #tpu.memory_space<vmem>>, vector<1x16xf32>,
      %get3A_145 = vector.shape_cast %get3A_144 : vector<1x16xf32> to vector<16xf32>
      %get3A_146 = arith.index_cast %scan3A_129 : i32 to index
      %get3A_147 = arith.constant 0 : index
      %get3A_148 = tpu.vector_load %arg7[%get3A_146, %get3A_147] {strides = array<i32>} : memref<160x64xf32, #tpu.memory_space<vmem>>, vector<1x16xf32>,
      %get3A_149 = vector.shape_cast %get3A_148 : vector<1x16xf32> to vector<16xf32>
      %get3A_150 = arith.index_cast %scan3A_129 : i32 to index
      %get3A_151 = arith.constant 16 : index
      %get3A_152 = tpu.vector_load %arg7[%get3A_150, %get3A_151] {strides = array<i32>} : memref<160x64xf32, #tpu.memory_space<vmem>>, vector<1x16xf32>,
      %get3A_153 = vector.shape_cast %get3A_152 : vector<1x16xf32> to vector<16xf32>
      %get3A_154 = arith.index_cast %scan3A_129 : i32 to index
      %get3A_155 = arith.constant 32 : index
      %get3A_156 = tpu.vector_load %arg7[%get3A_154, %get3A_155] {strides = array<i32>} : memref<160x64xf32, #tpu.memory_space<vmem>>, vector<1x16xf32>,
      %get3A_157 = vector.shape_cast %get3A_156 : vector<1x16xf32> to vector<16xf32>
      %get3A_158 = arith.index_cast %scan3A_129 : i32 to index
      %get3A_159 = arith.constant 48 : index
      %get3A_160 = tpu.vector_load %arg7[%get3A_158, %get3A_159] {strides = array<i32>} : memref<160x64xf32, #tpu.memory_space<vmem>>, vector<1x16xf32>,
      %get3A_161 = vector.shape_cast %get3A_160 : vector<1x16xf32> to vector<16xf32>
      %mul3A_162 = arith.mulf %get3A_133, %get3A_149 : vector<16xf32>
      %mul3A_163 = arith.mulf %get3A_141, %get3A_157 : vector<16xf32>
      %sub3A_164 = arith.subf %mul3A_162, %mul3A_163 : vector<16xf32>
      %swap3A_165 = arith.index_cast %scan3A_129 : i32 to index
      %swap3A_166 = arith.constant 0 : index
      %swap3A_167 = tpu.vector_load %arg9[%swap3A_165, %swap3A_166] {strides = array<i32>} : memref<160x64xf32, #tpu.memory_space<vmem>>, vector<1x16xf32>,
      %swap3A_168 = vector.shape_cast %swap3A_167 : vector<1x16xf32> to vector<16xf32>
      %swap3A_169 = vector.shape_cast %sub3A_164 : vector<16xf32> to vector<1x16xf32>
      tpu.vector_store %arg9[%swap3A_165, %swap3A_166], %swap3A_169 {strides = array<i32>} : memref<160x64xf32, #tpu.memory_space<vmem>>, vector<1x16xf32>,
      %mul3A_170 = arith.mulf %get3A_137, %get3A_153 : vector<16xf32>
      %mul3A_171 = arith.mulf %get3A_145, %get3A_161 : vector<16xf32>
      %sub3A_172 = arith.subf %mul3A_170, %mul3A_171 : vector<16xf32>
      %swap3A_173 = arith.index_cast %scan3A_129 : i32 to index
      %swap3A_174 = arith.constant 16 : index
      %swap3A_175 = tpu.vector_load %arg9[%swap3A_173, %swap3A_174] {strides = array<i32>} : memref<160x64xf32, #tpu.memory_space<vmem>>, vector<1x16xf32>,
      %swap3A_176 = vector.shape_cast %swap3A_175 : vector<1x16xf32> to vector<16xf32>
      %swap3A_177 = vector.shape_cast %sub3A_172 : vector<16xf32> to vector<1x16xf32>
      tpu.vector_store %arg9[%swap3A_173, %swap3A_174], %swap3A_177 {strides = array<i32>} : memref<160x64xf32, #tpu.memory_space<vmem>>, vector<1x16xf32>,
      %mul3A_178 = arith.mulf %get3A_141, %get3A_149 : vector<16xf32>
      %mul3A_179 = arith.mulf %get3A_133, %get3A_157 : vector<16xf32>
      %add3A_180 = arith.addf %mul3A_178, %mul3A_179 : vector<16xf32>
      %swap3A_181 = arith.index_cast %scan3A_129 : i32 to index
      %swap3A_182 = arith.constant 32 : index
      %swap3A_183 = tpu.vector_load %arg9[%swap3A_181, %swap3A_182] {strides = array<i32>} : memref<160x64xf32, #tpu.memory_space<vmem>>, vector<1x16xf32>,
      %swap3A_184 = vector.shape_cast %swap3A_183 : vector<1x16xf32> to vector<16xf32>
      %swap3A_185 = vector.shape_cast %add3A_180 : vector<16xf32> to vector<1x16xf32>
      tpu.vector_store %arg9[%swap3A_181, %swap3A_182], %swap3A_185 {strides = array<i32>} : memref<160x64xf32, #tpu.memory_space<vmem>>, vector<1x16xf32>,
      %mul3A_186 = arith.mulf %get3A_145, %get3A_153 : vector<16xf32>
      %mul3A_187 = arith.mulf %get3A_137, %get3A_161 : vector<16xf32>
      %add3A_188 = arith.addf %mul3A_186, %mul3A_187 : vector<16xf32>
      %swap3A_189 = arith.index_cast %scan3A_129 : i32 to index
      %swap3A_190 = arith.constant 48 : index
      %swap3A_191 = tpu.vector_load %arg9[%swap3A_189, %swap3A_190] {strides = array<i32>} : memref<160x64xf32, #tpu.memory_space<vmem>>, vector<1x16xf32>,
      %swap3A_192 = vector.shape_cast %swap3A_191 : vector<1x16xf32> to vector<16xf32>
      %swap3A_193 = vector.shape_cast %add3A_188 : vector<16xf32> to vector<1x16xf32>
      tpu.vector_store %arg9[%swap3A_189, %swap3A_190], %swap3A_193 {strides = array<i32>} : memref<160x64xf32, #tpu.memory_space<vmem>>, vector<1x16xf32>,
      %scan3A_194 = arith.constant 2 : i32
      %scan3A_195 = arith.addi %scan3A_66, %scan3A_194 : i32
      %get3A_196 = arith.index_cast %scan3A_195 : i32 to index
      %get3A_197 = arith.constant 0 : index
      %get3A_198 = tpu.vector_load %arg5[%get3A_196, %get3A_197] {strides = array<i32>} : memref<160x64xf32, #tpu.memory_space<vmem>>, vector<1x16xf32>,
      %get3A_199 = vector.shape_cast %get3A_198 : vector<1x16xf32> to vector<16xf32>
      %get3A_200 = arith.index_cast %scan3A_195 : i32 to index
      %get3A_201 = arith.constant 16 : index
      %get3A_202 = tpu.vector_load %arg5[%get3A_200, %get3A_201] {strides = array<i32>} : memref<160x64xf32, #tpu.memory_space<vmem>>, vector<1x16xf32>,
      %get3A_203 = vector.shape_cast %get3A_202 : vector<1x16xf32> to vector<16xf32>
      %get3A_204 = arith.index_cast %scan3A_195 : i32 to index
      %get3A_205 = arith.constant 32 : index
      %get3A_206 = tpu.vector_load %arg5[%get3A_204, %get3A_205] {strides = array<i32>} : memref<160x64xf32, #tpu.memory_space<vmem>>, vector<1x16xf32>,
      %get3A_207 = vector.shape_cast %get3A_206 : vector<1x16xf32> to vector<16xf32>
      %get3A_208 = arith.index_cast %scan3A_195 : i32 to index
      %get3A_209 = arith.constant 48 : index
      %get3A_210 = tpu.vector_load %arg5[%get3A_208, %get3A_209] {strides = array<i32>} : memref<160x64xf32, #tpu.memory_space<vmem>>, vector<1x16xf32>,
      %get3A_211 = vector.shape_cast %get3A_210 : vector<1x16xf32> to vector<16xf32>
      %get3A_212 = arith.index_cast %scan3A_195 : i32 to index
      %get3A_213 = arith.constant 0 : index
      %get3A_214 = tpu.vector_load %arg7[%get3A_212, %get3A_213] {strides = array<i32>} : memref<160x64xf32, #tpu.memory_space<vmem>>, vector<1x16xf32>,
      %get3A_215 = vector.shape_cast %get3A_214 : vector<1x16xf32> to vector<16xf32>
      %get3A_216 = arith.index_cast %scan3A_195 : i32 to index
      %get3A_217 = arith.constant 16 : index
      %get3A_218 = tpu.vector_load %arg7[%get3A_216, %get3A_217] {strides = array<i32>} : memref<160x64xf32, #tpu.memory_space<vmem>>, vector<1x16xf32>,
      %get3A_219 = vector.shape_cast %get3A_218 : vector<1x16xf32> to vector<16xf32>
      %get3A_220 = arith.index_cast %scan3A_195 : i32 to index
      %get3A_221 = arith.constant 32 : index
      %get3A_222 = tpu.vector_load %arg7[%get3A_220, %get3A_221] {strides = array<i32>} : memref<160x64xf32, #tpu.memory_space<vmem>>, vector<1x16xf32>,
      %get3A_223 = vector.shape_cast %get3A_222 : vector<1x16xf32> to vector<16xf32>
      %get3A_224 = arith.index_cast %scan3A_195 : i32 to index
      %get3A_225 = arith.constant 48 : index
      %get3A_226 = tpu.vector_load %arg7[%get3A_224, %get3A_225] {strides = array<i32>} : memref<160x64xf32, #tpu.memory_space<vmem>>, vector<1x16xf32>,
      %get3A_227 = vector.shape_cast %get3A_226 : vector<1x16xf32> to vector<16xf32>
      %mul3A_228 = arith.mulf %get3A_199, %get3A_215 : vector<16xf32>
      %mul3A_229 = arith.mulf %get3A_207, %get3A_223 : vector<16xf32>
      %sub3A_230 = arith.subf %mul3A_228, %mul3A_229 : vector<16xf32>
      %swap3A_231 = arith.index_cast %scan3A_195 : i32 to index
      %swap3A_232 = arith.constant 0 : index
      %swap3A_233 = tpu.vector_load %arg9[%swap3A_231, %swap3A_232] {strides = array<i32>} : memref<160x64xf32, #tpu.memory_space<vmem>>, vector<1x16xf32>,
      %swap3A_234 = vector.shape_cast %swap3A_233 : vector<1x16xf32> to vector<16xf32>
      %swap3A_235 = vector.shape_cast %sub3A_230 : vector<16xf32> to vector<1x16xf32>
      tpu.vector_store %arg9[%swap3A_231, %swap3A_232], %swap3A_235 {strides = array<i32>} : memref<160x64xf32, #tpu.memory_space<vmem>>, vector<1x16xf32>,
      %mul3A_236 = arith.mulf %get3A_203, %get3A_219 : vector<16xf32>
      %mul3A_237 = arith.mulf %get3A_211, %get3A_227 : vector<16xf32>
      %sub3A_238 = arith.subf %mul3A_236, %mul3A_237 : vector<16xf32>
      %swap3A_239 = arith.index_cast %scan3A_195 : i32 to index
      %swap3A_240 = arith.constant 16 : index
      %swap3A_241 = tpu.vector_load %arg9[%swap3A_239, %swap3A_240] {strides = array<i32>} : memref<160x64xf32, #tpu.memory_space<vmem>>, vector<1x16xf32>,
      %swap3A_242 = vector.shape_cast %swap3A_241 : vector<1x16xf32> to vector<16xf32>
      %swap3A_243 = vector.shape_cast %sub3A_238 : vector<16xf32> to vector<1x16xf32>
      tpu.vector_store %arg9[%swap3A_239, %swap3A_240], %swap3A_243 {strides = array<i32>} : memref<160x64xf32, #tpu.memory_space<vmem>>, vector<1x16xf32>,
      %mul3A_244 = arith.mulf %get3A_207, %get3A_215 : vector<16xf32>
      %mul3A_245 = arith.mulf %get3A_199, %get3A_223 : vector<16xf32>
      %add3A_246 = arith.addf %mul3A_244, %mul3A_245 : vector<16xf32>
      %swap3A_247 = arith.index_cast %scan3A_195 : i32 to index
      %swap3A_248 = arith.constant 32 : index
      %swap3A_249 = tpu.vector_load %arg9[%swap3A_247, %swap3A_248] {strides = array<i32>} : memref<160x64xf32, #tpu.memory_space<vmem>>, vector<1x16xf32>,
      %swap3A_250 = vector.shape_cast %swap3A_249 : vector<1x16xf32> to vector<16xf32>
      %swap3A_251 = vector.shape_cast %add3A_246 : vector<16xf32> to vector<1x16xf32>
      tpu.vector_store %arg9[%swap3A_247, %swap3A_248], %swap3A_251 {strides = array<i32>} : memref<160x64xf32, #tpu.memory_space<vmem>>, vector<1x16xf32>,
      %mul3A_252 = arith.mulf %get3A_211, %get3A_219 : vector<16xf32>
      %mul3A_253 = arith.mulf %get3A_203, %get3A_227 : vector<16xf32>
      %add3A_254 = arith.addf %mul3A_252, %mul3A_253 : vector<16xf32>
      %swap3A_255 = arith.index_cast %scan3A_195 : i32 to index
      %swap3A_256 = arith.constant 48 : index
      %swap3A_257 = tpu.vector_load %arg9[%swap3A_255, %swap3A_256] {strides = array<i32>} : memref<160x64xf32, #tpu.memory_space<vmem>>, vector<1x16xf32>,
      %swap3A_258 = vector.shape_cast %swap3A_257 : vector<1x16xf32> to vector<16xf32>
      %swap3A_259 = vector.shape_cast %add3A_254 : vector<16xf32> to vector<1x16xf32>
      tpu.vector_store %arg9[%swap3A_255, %swap3A_256], %swap3A_259 {strides = array<i32>} : memref<160x64xf32, #tpu.memory_space<vmem>>, vector<1x16xf32>,
      %scan3A_260 = arith.constant 3 : i32
      %scan3A_261 = arith.addi %scan3A_66, %scan3A_260 : i32
      %get3A_262 = arith.index_cast %scan3A_261 : i32 to index
      %get3A_263 = arith.constant 0 : index
      %get3A_264 = tpu.vector_load %arg5[%get3A_262, %get3A_263] {strides = array<i32>} : memref<160x64xf32, #tpu.memory_space<vmem>>, vector<1x16xf32>,
      %get3A_265 = vector.shape_cast %get3A_264 : vector<1x16xf32> to vector<16xf32>
      %get3A_266 = arith.index_cast %scan3A_261 : i32 to index
      %get3A_267 = arith.constant 16 : index
      %get3A_268 = tpu.vector_load %arg5[%get3A_266, %get3A_267] {strides = array<i32>} : memref<160x64xf32, #tpu.memory_space<vmem>>, vector<1x16xf32>,
      %get3A_269 = vector.shape_cast %get3A_268 : vector<1x16xf32> to vector<16xf32>
      %get3A_270 = arith.index_cast %scan3A_261 : i32 to index
      %get3A_271 = arith.constant 32 : index
      %get3A_272 = tpu.vector_load %arg5[%get3A_270, %get3A_271] {strides = array<i32>} : memref<160x64xf32, #tpu.memory_space<vmem>>, vector<1x16xf32>,
      %get3A_273 = vector.shape_cast %get3A_272 : vector<1x16xf32> to vector<16xf32>
      %get3A_274 = arith.index_cast %scan3A_261 : i32 to index
      %get3A_275 = arith.constant 48 : index
      %get3A_276 = tpu.vector_load %arg5[%get3A_274, %get3A_275] {strides = array<i32>} : memref<160x64xf32, #tpu.memory_space<vmem>>, vector<1x16xf32>,
      %get3A_277 = vector.shape_cast %get3A_276 : vector<1x16xf32> to vector<16xf32>
      %get3A_278 = arith.index_cast %scan3A_261 : i32 to index
      %get3A_279 = arith.constant 0 : index
      %get3A_280 = tpu.vector_load %arg7[%get3A_278, %get3A_279] {strides = array<i32>} : memref<160x64xf32, #tpu.memory_space<vmem>>, vector<1x16xf32>,
      %get3A_281 = vector.shape_cast %get3A_280 : vector<1x16xf32> to vector<16xf32>
      %get3A_282 = arith.index_cast %scan3A_261 : i32 to index
      %get3A_283 = arith.constant 16 : index
      %get3A_284 = tpu.vector_load %arg7[%get3A_282, %get3A_283] {strides = array<i32>} : memref<160x64xf32, #tpu.memory_space<vmem>>, vector<1x16xf32>,
      %get3A_285 = vector.shape_cast %get3A_284 : vector<1x16xf32> to vector<16xf32>
      %get3A_286 = arith.index_cast %scan3A_261 : i32 to index
      %get3A_287 = arith.constant 32 : index
      %get3A_288 = tpu.vector_load %arg7[%get3A_286, %get3A_287] {strides = array<i32>} : memref<160x64xf32, #tpu.memory_space<vmem>>, vector<1x16xf32>,
      %get3A_289 = vector.shape_cast %get3A_288 : vector<1x16xf32> to vector<16xf32>
      %get3A_290 = arith.index_cast %scan3A_261 : i32 to index
      %get3A_291 = arith.constant 48 : index
      %get3A_292 = tpu.vector_load %arg7[%get3A_290, %get3A_291] {strides = array<i32>} : memref<160x64xf32, #tpu.memory_space<vmem>>, vector<1x16xf32>,
      %get3A_293 = vector.shape_cast %get3A_292 : vector<1x16xf32> to vector<16xf32>
      %mul3A_294 = arith.mulf %get3A_265, %get3A_281 : vector<16xf32>
      %mul3A_295 = arith.mulf %get3A_273, %get3A_289 : vector<16xf32>
      %sub3A_296 = arith.subf %mul3A_294, %mul3A_295 : vector<16xf32>
      %swap3A_297 = arith.index_cast %scan3A_261 : i32 to index
      %swap3A_298 = arith.constant 0 : index
      %swap3A_299 = tpu.vector_load %arg9[%swap3A_297, %swap3A_298] {strides = array<i32>} : memref<160x64xf32, #tpu.memory_space<vmem>>, vector<1x16xf32>,
      %swap3A_300 = vector.shape_cast %swap3A_299 : vector<1x16xf32> to vector<16xf32>
      %swap3A_301 = vector.shape_cast %sub3A_296 : vector<16xf32> to vector<1x16xf32>
      tpu.vector_store %arg9[%swap3A_297, %swap3A_298], %swap3A_301 {strides = array<i32>} : memref<160x64xf32, #tpu.memory_space<vmem>>, vector<1x16xf32>,
      %mul3A_302 = arith.mulf %get3A_269, %get3A_285 : vector<16xf32>
      %mul3A_303 = arith.mulf %get3A_277, %get3A_293 : vector<16xf32>
      %sub3A_304 = arith.subf %mul3A_302, %mul3A_303 : vector<16xf32>
      %swap3A_305 = arith.index_cast %scan3A_261 : i32 to index
      %swap3A_306 = arith.constant 16 : index
      %swap3A_307 = tpu.vector_load %arg9[%swap3A_305, %swap3A_306] {strides = array<i32>} : memref<160x64xf32, #tpu.memory_space<vmem>>, vector<1x16xf32>,
      %swap3A_308 = vector.shape_cast %swap3A_307 : vector<1x16xf32> to vector<16xf32>
      %swap3A_309 = vector.shape_cast %sub3A_304 : vector<16xf32> to vector<1x16xf32>
      tpu.vector_store %arg9[%swap3A_305, %swap3A_306], %swap3A_309 {strides = array<i32>} : memref<160x64xf32, #tpu.memory_space<vmem>>, vector<1x16xf32>,
      %mul3A_310 = arith.mulf %get3A_273, %get3A_281 : vector<16xf32>
      %mul3A_311 = arith.mulf %get3A_265, %get3A_289 : vector<16xf32>
      %add3A_312 = arith.addf %mul3A_310, %mul3A_311 : vector<16xf32>
      %swap3A_313 = arith.index_cast %scan3A_261 : i32 to index
      %swap3A_314 = arith.constant 32 : index
      %swap3A_315 = tpu.vector_load %arg9[%swap3A_313, %swap3A_314] {strides = array<i32>} : memref<160x64xf32, #tpu.memory_space<vmem>>, vector<1x16xf32>,
      %swap3A_316 = vector.shape_cast %swap3A_315 : vector<1x16xf32> to vector<16xf32>
      %swap3A_317 = vector.shape_cast %add3A_312 : vector<16xf32> to vector<1x16xf32>
      tpu.vector_store %arg9[%swap3A_313, %swap3A_314], %swap3A_317 {strides = array<i32>} : memref<160x64xf32, #tpu.memory_space<vmem>>, vector<1x16xf32>,
      %mul3A_318 = arith.mulf %get3A_277, %get3A_285 : vector<16xf32>
      %mul3A_319 = arith.mulf %get3A_269, %get3A_293 : vector<16xf32>
      %add3A_320 = arith.addf %mul3A_318, %mul3A_319 : vector<16xf32>
      %swap3A_321 = arith.index_cast %scan3A_261 : i32 to index
      %swap3A_322 = arith.constant 48 : index
      %swap3A_323 = tpu.vector_load %arg9[%swap3A_321, %swap3A_322] {strides = array<i32>} : memref<160x64xf32, #tpu.memory_space<vmem>>, vector<1x16xf32>,
      %swap3A_324 = vector.shape_cast %swap3A_323 : vector<1x16xf32> to vector<16xf32>
      %swap3A_325 = vector.shape_cast %add3A_320 : vector<16xf32> to vector<1x16xf32>
      tpu.vector_store %arg9[%swap3A_321, %swap3A_322], %swap3A_325 {strides = array<i32>} : memref<160x64xf32, #tpu.memory_space<vmem>>, vector<1x16xf32>,
    }
    %scan3A_47 = arith.constant 160 : i32
    %add3A_48 = arith.constant 19840 : i32
    %add3A_49 = arith.addi %mul3A_2, %add3A_48 : i32
    %dma_start3A_50 = arith.constant 0 : i32
    %dma_start3A_51 = tpu.memref_slice %arg4[%add3A_49, %dma_start3A_50] : memref<640000x64xf32, #tpu.memory_space<hbm>> -> memref<160x64xf32, #tpu.memory_space<hbm>>
    %dma_start3A_52 = arith.constant 0 : i32
    %dma_start3A_53 = tpu.memref_slice %arg4[%add3A_49, %dma_start3A_52] : memref<640000x64xf32, #tpu.memory_space<hbm>> -> memref<160x64xf32, #tpu.memory_space<hbm>>
    tpu.enqueue_dma source(%arg9 : memref<160x64xf32, #tpu.memory_space<vmem>>) target(%dma_start3A_53 : memref<160x64xf32, #tpu.memory_space<hbm>>) target_semaphore(%arg15 : memref<!tpu.dma_semaphore, #tpu.memory_space<semaphore_mem>>)
    %add3A_54 = arith.constant 0 : i32
    %add3A_55 = arith.addi %mul3A_2, %add3A_54 : i32
    %dma_wait3A_56 = arith.constant 0 : i32
    %dma_wait3A_57 = tpu.memref_slice %arg4[%add3A_55, %dma_wait3A_56] : memref<640000x64xf32, #tpu.memory_space<hbm>> -> memref<160x64xf32, #tpu.memory_space<hbm>>
    %dma_wait3A_58 = arith.constant 0 : i32
    %dma_wait3A_59 = tpu.memref_slice %arg4[%add3A_55, %dma_wait3A_58] : memref<640000x64xf32, #tpu.memory_space<hbm>> -> memref<160x64xf32, #tpu.memory_space<hbm>>
    tpu.wait_dma2 semaphore(%arg15 : memref<!tpu.dma_semaphore, #tpu.memory_space<semaphore_mem>>) src(%arg9 : memref<160x64xf32, #tpu.memory_space<vmem>>) dst(%dma_wait3A_59 : memref<160x64xf32, #tpu.memory_space<hbm>>)
    %add3A_60 = arith.constant 0 : i32
    %add3A_61 = arith.addi %mul3A_2, %add3A_60 : i32
    %dma_wait3A_62 = arith.constant 0 : i32
    %dma_wait3A_63 = tpu.memref_slice %arg4[%add3A_61, %dma_wait3A_62] : memref<640000x64xf32, #tpu.memory_space<hbm>> -> memref<160x64xf32, #tpu.memory_space<hbm>>
    %dma_wait3A_64 = arith.constant 0 : i32
    %dma_wait3A_65 = tpu.memref_slice %arg4[%add3A_61, %dma_wait3A_64] : memref<640000x64xf32, #tpu.memory_space<hbm>> -> memref<160x64xf32, #tpu.memory_space<hbm>>
    tpu.wait_dma2 semaphore(%arg16 : memref<!tpu.dma_semaphore, #tpu.memory_space<semaphore_mem>>) src(%arg10 : memref<160x64xf32, #tpu.memory_space<vmem>>) dst(%dma_wait3A_65 : memref<160x64xf32, #tpu.memory_space<hbm>>)
    return
  }
}

</mosaic_0001>

<sc_bundles>
// kernel: kernel.3.cloned.1.call-start
scs
__scs_entry_jumppad:
0x0: {  	(pc) =	sbr.rel $0x88, $3  }
0x1: {  	(tag) =	ssettag $0x0;
	lr =	simm.s32 $0x1  }
0x2: {  	[smem:$0x3F9F] =	sst lr;
	_ =	strace $0xD0000000  }
0x3: {  	_ = 	snop  }
0x4: {  	_ = 	snop  }
0x5: {  	_ = 	snop  }
0x6: {  	_ = 	snop  }
0x7: {  	_ = 	snop  }
__scs_overlays_trampoline_lowered:
0x8: {  	[smem:$0x3FAE] =	sst s0  }
0x9: {  	[smem:$0x3FAF] =	sst s1  }
0xa: {  	[smem:$0x3FB0] =	sst s2  }
0xb: {  	[smem:$0x3FB1] =	sst s3  }
0xc: {  	[smem:$0x3FB2] =	sst s4  }
0xd: {  	[smem:$0x3FB3] =	sst s5  }
0xe: {  	[smem:$0x3FB4] =	sst s6  }
0xf: {  	[smem:$0x3FB5] =	sst s7  }
0x10: {  	[smem:$0x3FB6] =	sst s8  }
0x11: {  	[smem:$0x3FB7] =	sst s9;
	s0 =	simm.s32 @!p0 $0x0  }
0x12: {  	s1 =	sld [smem:$0x3F9D];
	s0 =	simm.s32 @p0 $0x1  }
0x13: {  	[smem:$0x3FB8] =	sst s0;
	s0 =	simm.s32 @!p1 $0x0  }
0x14: {  	s2 =	sld [smem:$0x3F9C];
	s0 =	simm.s32 @p1 $0x1  }
0x15: {  	[smem:$0x3FB9] =	sst s0;
	s0 =	simm.s32 @!p2 $0x0  }
0x16: {  	s3 =	sld [smem:$0x3FDB];
	s0 =	simm.s32 @p2 $0x1  }
0x17: {  	s4 =	simm.s32 $0x1BF5;
	[smem:$0x3FBB] =	sst s0  }
0x18: {  	s0 =	sld [smem:$0x3F9E];
	_ =	swait.ge [sflag:s4], $0x0  }
0x19: {  	s7 =	sld [smem:$0x3F9F]  }
0x1a: {  	s8 =	sadd.s32 $0xFFFFE003, lr  }
0x1b: {  	s9 =	sadd.s32 $0xFFFFFEF7, lr;
	s5 =	simm.s32 $0xFFFFFFFF;
	p2 =	slt.u32 s8, $0xFFFFF086  }
0x1c: {  	p1 =	slt.u32 s9, $0xF7A;
	s5 =	simm.s32 @!p2 $0x0  }
0x1d: {  	s5 =	simm.s32 @p1 $0x1;
	p0 =	seq.s32 s7, s2  }
0x1e: {  	s7 =	smul.u32 @!p0 $0xF7A, s2;
	p2 =	seq.s32 @!p0 s5, $0x0  }
0x1f: {  	s9 =	smul.u32 $0xF7A, s1;
	s8 =	simm.s32 @!p0 $0x1BF5;
	p2 =	por !p2, p0  }
0x20: {  	[sflag:s8] =	ssyncset.s32 @!p0 $0xFFFFF086;
	s6 =	sadd.s32 @!p0 s3, s7;
	s7 =	simm.s32 @!p0 $0x108  }
0x21: {  	s3 =	sadd.s32 s3, s9;
	s6 =	sadd.s32 @!p0 $0x88, s6;
	s7 =	simm.s32 @p2 $0x1082  }
0x22: {  	[simem:s7], [sflag:s8] =	dma.local @!p0 [hbm:s6], $0xF7A  }
0x23: {  	s9 =	sor.u32 $0xD0000000, s2;
	s6 =	simm.s32 $0x108;
	_ =	swait.ge @!p0 [sflag:s8], $0x0  }
0x24: {  	s3 =	sadd.s32 $0x88, s3;
	s6 =	simm.s32 @!p1 $0x1082;
	[sflag:s4] =	ssyncset.s32 $0xFFFFF086  }
0x25: {  	[simem:s6], [sflag:s4] =	dma.local [hbm:s3], $0xF7A  }
0x26: {  	[smem:$0x3F9F] =	sst s1;
	(tag) =	ssettag s2;
	_ =	strace s9  }
0x27: {  	s1 =	sld [smem:$0x3FAF]  }
0x28: {  	s2 =	sld [smem:$0x3FB0]  }
0x29: {  	s4 =	sld [smem:$0x3FB2]  }
0x2a: {  	p0 =	seq.s32 s5, $0x0;
	s5 =	sld [smem:$0x3FB3]  }
0x2b: {  	s6 =	sld [smem:$0x3FB4]  }
0x2c: {  	s7 =	sld [smem:$0x3FB5]  }
0x2d: {  	s3 =	simm.s32 $0x108;
	s8 =	sld [smem:$0x3FB6]  }
0x2e: {  	s3 =	simm.s32 @!p0 $0x1082;
	s9 =	sld [smem:$0x3FB7]  }
0x2f: {  	lr =	sadd.s32 s0, s3;
	s0 =	sld [smem:$0x3FAE]  }
0x30: {  	s3 =	sld [smem:$0x3FB1]  }
0x31: {  	[smem:$0x3FBA] =	sst s10  }
0x32: {  	s10 =	sld [smem:$0x3FB8];
	_ =	sdelay $0x3  }
0x33: {  	p0 =	seq.s32 s10, $0x1;
	s10 =	sld [smem:$0x3FBA];
	_ =	sdelay $0x3  }
0x34: {  	[smem:$0x3FBA] =	sst s10  }
0x35: {  	s10 =	sld [smem:$0x3FB9];
	_ =	sdelay $0x3  }
0x36: {  	p1 =	seq.s32 s10, $0x1;
	s10 =	sld [smem:$0x3FBA];
	_ =	sdelay $0x3  }
0x37: {  	[smem:$0x3FBA] =	sst s10  }
0x38: {  	s10 =	sld [smem:$0x3FBB]  }
0x39: {  	_ = 	snop;
	(pc) =	sbr.ind lr, $3  }
0x3a: {  	_ = 	snop  }
0x3b: {  	_ = 	snop  }
0x3c: {  	p2 =	seq.s32 s10, $0x1;
	s10 =	sld [smem:$0x3FBA]  }
0x3d: {  	_ =	shalt  }
0x3e: {  	_ =	shalt  }
0x3f: {  	_ =	shalt  }
0x40: {  	_ =	shalt  }
0x41: {  	_ =	shalt  }
0x42: {  	_ =	shalt  }
0x43: {  	_ =	shalt  }
0x44: {  	_ =	shalt  }
0x45: {  	_ =	shalt  }
0x46: {  	_ =	shalt  }
0x47: {  	_ =	shalt  }
0x48: {  	_ =	shalt  }
0x49: {  	_ =	shalt  }
0x4a: {  	_ =	shalt  }
0x4b: {  	_ =	shalt  }
0x4c: {  	_ =	shalt  }
0x4d: {  	_ =	shalt  }
0x4e: {  	_ =	shalt  }
0x4f: {  	_ =	shalt  }
0x50: {  	_ =	shalt  }
0x51: {  	_ =	shalt  }
0x52: {  	_ =	shalt  }
0x53: {  	_ =	shalt  }
0x54: {  	_ =	shalt  }
0x55: {  	_ =	shalt  }
0x56: {  	_ =	shalt  }
0x57: {  	_ =	shalt  }
0x58: {  	_ =	shalt  }
0x59: {  	_ =	shalt  }
0x5a: {  	_ =	shalt  }
0x5b: {  	_ =	shalt  }
0x5c: {  	_ =	shalt  }
0x5d: {  	_ =	shalt  }
0x5e: {  	_ =	shalt  }
0x5f: {  	_ =	shalt  }
0x60: {  	_ =	shalt  }
0x61: {  	_ =	shalt  }
0x62: {  	_ =	shalt  }
0x63: {  	_ =	shalt  }
0x64: {  	_ =	shalt  }
0x65: {  	_ =	shalt  }
0x66: {  	_ =	shalt  }
0x67: {  	_ =	shalt  }
0x68: {  	_ =	shalt  }
0x69: {  	_ =	shalt  }
0x6a: {  	_ =	shalt  }
0x6b: {  	_ =	shalt  }
0x6c: {  	_ =	shalt  }
0x6d: {  	_ =	shalt  }
0x6e: {  	_ =	shalt  }
0x6f: {  	_ =	shalt  }
0x70: {  	_ =	shalt  }
0x71: {  	_ =	shalt  }
0x72: {  	_ =	shalt  }
0x73: {  	_ =	shalt  }
0x74: {  	_ =	shalt  }
0x75: {  	_ =	shalt  }
0x76: {  	_ =	shalt  }
0x77: {  	_ =	shalt  }
0x78: {  	_ =	shalt  }
0x79: {  	_ =	shalt  }
0x7a: {  	_ =	shalt  }
0x7b: {  	_ =	shalt  }
0x7c: {  	_ =	shalt  }
0x7d: {  	_ =	shalt  }
0x7e: {  	_ =	shalt  }
0x7f: {  	_ =	shalt  }
0x80: {  	_ =	shalt  }
0x81: {  	_ =	shalt  }
0x82: {  	_ =	shalt  }
0x83: {  	_ =	shalt  }
0x84: {  	_ =	shalt  }
0x85: {  	_ =	shalt  }
0x86: {  	_ =	shalt  }
0x87: {  	_ =	shalt  }
.Lfunc_end0:
.L_simem_size_0:
called_computation_lowered:
.L_overlay_start_0:
0x88: {  	s2 =	sld [smem:$0x3FD9]  }
0x89: {  	s3 =	sld [smem:$0x3FFE];
	_ =	sdelay $0x1  }
0x8a: {  	s1 =	srdreg.scid  }
0x8b: {  	s0 =	sand.u32 $0x1, s1  }
0x8c: {  	s16 =	sshll.u32 s0, $0xA;
	s2 =	sadd.s32 s3, s2  }
0x8d: {  	s2 =	sadd.s32 s2, s16  }
0x8e: {  	[smem:$0x3FC6] =	sst s2  }
0x8f: {  	_ = 	snop  }
0x90: {  	(tm) =	ssettm $0x1  }
0x91: {  	s17 =	sld [smem:$0x3FFB];
	_ =	sdelay $0x3  }
0x92: {  	_ =	strace s17  }
0x93: {  	s2 =	sld [smem:$0x3FFC];
	_ =	sdelay $0x3  }
0x94: {  	_ =	strace s2  }
0x95: {  	s2 =	sld [smem:$0x3FFD];
	_ =	sdelay $0x3  }
0x96: {  	_ =	strace s2  }
0x97: {  	_ =	strace $0x8FFFFFFF  }
0x98: {  	s18 =	sld [smem:$0x3FDB];
	_ =	sdelay $0x1  }
0x99: {  	s19 =	simm.s32 $_scs_section_size  }
0x9a: {  	s4 =	simm.s32 $_size__tile_overlayer_lowered;
	s5 =	simm.s32 $_tile_overlayer_lowered  }
0x9b: {  	s22 =	simm.s32 $0x1BFF;
	s21 =	sshll.u32 s5, $0x1;
	s2 =	sadd.s32 s19, s18  }
0x9c: {  	s6 =	simm.s32 $0x0;
	s20 =	sshll.u32 s4, $0x1;
	s4 =	sadd.s32 s21, s2  }
0x9d: {  	[timem:s6], [sflag:s22] =	dma.local [hbm:s4], s20  }
0x9e: {  	_ =	swait.ge [sflag:s22], s20  }
0x9f: {  	s3 =	ssub.s32 $0x0, s20;
	[sflag:s22] =	ssyncset.done $0x0  }
0xa0: {  	[sflag:s22] =	ssyncadd.s32 s3;
	_ =	sdelay $0x1  }
0xa1: {  	s23 =	simm.s32 $0x1B8B  }
0xa2: {  	_ =	swait.ge [sflag:s23], $0x1  }
0xa3: {  	[sflag:s23] =	ssyncset.done $0x0  }
0xa4: {  	s25 =	simm.s32 $0x1B8E;
	s24 =	sld [smem:$0x3FFE];
	[sflag:s23] =	ssyncadd.s32 $0xFFFFFFFF  }
0xa5: {  	s26 =	simm.s32 $execute0_lowered;
	[smem:$0x3FD2] =	sst s25  }
0xa6: {  	s4 =	sshll.u32 s26, $0x1;
	_ =	strace $0x80000046;
	[dreg:$0x1] =	wrdreg $0xFFFFFFFF  }
0xa7: {  	s28 =	simm.s32 $_size_execute0_lowered;
	s2 =	sadd.s32 s2, s4;
	[dreg:$0x0] =	wrdreg $0x0  }
0xa8: {  	s4 =	sshll.u32 s28, $0x1;
	[dreg:$0x2] =	wrdreg s2  }
0xa9: {  	[dreg:$0x3] =	wrdreg s4  }
0xaa: {  	[dreg:$0x4] =	wrdreg $0xC0  }
0xab: {  	_ =	task [dreg:s6], $0x5FFFF  }
0xac: {  	[dreg:$0x1] =	wrdreg $0xFFFFFFFF  }
0xad: {  	[dreg:$0x0] =	wrdreg $0x60  }
0xae: {  	[dreg:$0x2] =	wrdreg s24  }
0xaf: {  	[dreg:$0x3] =	wrdreg $0x9  }
0xb0: {  	_ =	task.clear_ibuf [dreg:s6], $0x4FFFF;
	_ =	strace $0x90000046  }
0xb1: {  	s29 =	simm.s32 $0x9;
	_ =	strace $0x80000048  }
0xb2: {  	_ =	swait.ge [sflag:s29], $0x1  }
0xb3: {  	[sflag:s29] =	ssyncadd.s32 $0xFFFFFFFF  }
0xb4: {  	_ =	strace $0x90000048  }
0xb5: {  	_ =	sfence  }
0xb6: {  	s30 =	sld [smem:$0x0];
	_ =	sdelay $0x2  }
0xb7: {  	s31 =	sshll.u32 s1, $0xD;
	s1 =	sshrl.u32 s1, $0x2  }
0xb8: {  	s3 =	sand.u32 $0x4000, s31;
	s1 =	sadd.s32 s1, s30  }
0xb9: {  	s0 =	sor.u32 s3, s0;
	s1 =	sshll.u32 s1, $0x11  }
0xba: {  	s0 =	sor.u32 s1, s0  }
0xbb: {  	s0 =	sadd.s32 $0x8F2B, s0  }
0xbc: {  	[sflag:s0] =	ssyncadd.remote.s32 $0x1  }
0xbd: {  	_ =	sfence.sel $0xFFFF  }
0xbe: {  	[dreg:$0x0] =	wrdreg $0xFFFFFFFF;
	(pc) =	sbr.abs _section_cstart, $3  }
0xbf: {  	[dreg:$0x1] =	wrdreg $0xFFFFFFFF  }
0xc0: {  	_ =	task.clear_ibuf [dreg:s6], $0x2FFFF;
	_ =	strace $0x9FFFFFFF  }
0xc1: {  	(tm) =	ssettm $0x7FFFFFFF  }
tec
execute0_lowered:
.L_overlay_start_1:
0x0: {  	(tag) =	ssettag $0x1  }
0x1: {  	s0 =	rddreg [dreg:$0x0];
	s2 =	simm.s32 $0x0  }
0x2: {  	s1 =	srdreg.scid;
	s3 =	stileid.u32;
	s16 =	simm.s32 $0xA000  }
0x3: {  	s17 =	simm.s32 $0x5000;
	s18 =	simm.s32 $0xF000;
	s19 =	simm.s32 $0x1  }
0x4: {  	s20 =	simm.s32 $0x3;
	s21 =	simm.s32 $0x14000;
	s22 =	simm.s32 $0x2  }
0x5: {  	s23 =	simm.s32 $0x4;
	s1 =	sand.u32 $0x1, s1;
	s3 =	sshll.u32 s3, $0x1  }
0x6: {  	s28 =	simm.s32 $0x0;
	s4 =	sadd.s32 $0x9C4400, s0;
	s6 =	sor.u32 s1, s3  }
0x7: {  	[smem:$0x7FF] =	sst s2;
	s5 =	sadd.s32 $0x1388400, s0;
	s7 =	smul.u32 $0x271000, s6  }
0x8: {  	_ =	strace $0x80000047;
	s1 =	ssub.s32 $0x2, s1;
	s9 =	smul.u32 $0x4E200, s6  }
0x9: {  	s3 =	sadd.s32 $0x400, s0;
	s8 =	sshrl.u32 s1, $0x1;
	s6 =	smul.u32 $0x4E20, s6  }
0xa: {  	s24 =	ssub.s32 s1, s8;
	s25 =	sshrl.u32 s7, $0x3;
	s26 =	sadd.s32 s3, s9  }
0xb: {  	s30 =	sadd.s32 s4, s9;
	s11 =	sadd.s32 $0x140, s6;
	s12 =	sadd.s32 $0xA0, s6  }
0xc: {  	s13 =	sadd.s32 $0x1E0, s6;
	[dreg:$0x2] =	wrdreg s26;
	s29 =	sadd.s32 $0xA00, s25  }
0xd: {  	s15 =	smax.u32 s24, $0x1;
	[dreg:$0x3] =	wrdreg s30;
	s31 =	sadd.s32 s3, s29  }
0xe: {  	s1 =	sadd.s32 s5, s25;
	s7 =	sadd.s32 s4, s29;
	[dreg:$0x4] =	wrdreg s31  }
0xf: {  	s24 =	simm.s32 $0x19000;
	s1 =	sadd.s32 $0x4D800, s1;
	[dreg:$0x5] =	wrdreg s7  }
0x10: {  	s25 =	simm.s32 $0x5;
	s26 =	simm.s32 $0x6;
	[dreg:$0x6] =	wrdreg s1  }
.LBB2_1:
0x11: {  	s0 =	rddreg [dreg:$0x2]  }
0x12: {  	[tilespmem:s2], [sflag:$0x1] =	stream.linear.gather [hbm4b:s0+s2], $0x5000, $0x38;
	[tilespmem:$0x1E000] =	vst v63  }
0x13: {  	s14 =	rddreg [dreg:$0x3]  }
0x14: {  	[tilespmem:s16], [sflag:$0x3] =	stream.linear.gather [hbm4b:s14+s2], $0x5000, $0x38;
	[tilespmem:$0x1E000] =	vst v63  }
0x15: {  	s30 =	rddreg [dreg:$0x4]  }
0x16: {  	[tilespmem:s17], [sflag:$0x2] =	stream.linear.gather [hbm4b:s30+s2], $0x5000, $0x38;
	[tilespmem:$0x1E000] =	vst v63  }
0x17: {  	s31 =	rddreg [dreg:$0x5];
	s29 =	simm.s32 $0x0  }
0x18: {  	[tilespmem:s18], [sflag:$0x4] =	stream.linear.gather [hbm4b:s31+s2], $0x5000, $0x38;
	[tilespmem:$0x1E000] =	vst v63  }
.LBB2_2:
0x19: {  	_ =	swait.ge [sflag:s19], $0x5000  }
0x1a: {  	[sflag:s19] =	ssyncset.done $0x0  }
0x1b: {  	[sflag:s19] =	ssyncadd.s32 $0xFFFFB000  }
0x1c: {  	_ =	swait.ge [sflag:s20], $0x5000  }
0x1d: {  	p0 =	seq.s32 s29, $0x0;
	[sflag:s20] =	ssyncset.done $0x0  }
0x1e: {  	s0 =	simm.s32 @!p0 $0x5;
	[sflag:s20] =	ssyncadd.s32 $0xFFFFB000  }
0x1f: {  	_ =	swait.ge @!p0 [sflag:s0], $0x5000  }
0x20: {  	[sflag:s0] =	ssyncset.done @!p0 $0x0  }
0x21: {  	[sflag:s0] =	ssyncadd.s32 @!p0 $0xFFFFB000;
	s0 =	simm.s32 $0xA100  }
0x22: {  	v0 =	vld [tilespmem:s0+$0xFFFFFF10]  }
0x23: {  	s1 =	simm.s32 $0x100;
	v1 =	vld [tilespmem:s0+$0xFFFFFF30]  }
0x24: {  	v2 =	vld [tilespmem:s1+$0xFFFFFF00]  }
0x25: {  	v3 =	vld [tilespmem:s0+$0xFFFFFF20]  }
0x26: {  	v4 =	vld [tilespmem:s0+$0xFFFFFF00]  }
0x27: {  	v5 =	vld [tilespmem:s1+$0xFFFFFF20]  }
0x28: {  	v6 =	vld [tilespmem:s1+$0xFFFFFF30]  }
0x29: {  	v7 =	vld [tilespmem:s1+$0xFFFFFF10];
	_ =	sdelay $0x2  }
0x2a: {  	v8 =	vmul.f32 v4, v5;
	v9 =	vmul.f32 v3, v2  }
0x2b: {  	v2 =	vmul.f32 v4, v2;
	v3 =	vmul.f32 v3, v5  }
0x2c: {  	v4 =	vmul.f32 v1, v6;
	v5 =	vmul.f32 v0, v7;
	v8 =	vadd.f32 v9, v8  }
0x2d: {  	s31 =	simm.s32 $0x14100;
	v1 =	vmul.f32 v1, v7;
	v0 =	vmul.f32 v0, v6;
	v2 =	vsub.f32 v2, v3  }
0x2e: {  	v3 =	vsub.f32 v5, v4;
	[tilespmem:s31+$0xFFFFFF20] =	vst v8  }
0x2f: {  	v0 =	vadd.f32 v1, v0;
	[tilespmem:s31+$0xFFFFFF00] =	vst v2  }
0x30: {  	[tilespmem:s31+$0xFFFFFF10] =	vst v3  }
0x31: {  	[tilespmem:s31+$0xFFFFFF30] =	vst v0  }
0x32: {  	v0 =	vld [tilespmem:s1+$0xFFFFFF80]  }
0x33: {  	v1 =	vld [tilespmem:s1+$0xFFFFFF90]  }
0x34: {  	v2 =	vld [tilespmem:s0+$0xFFFFFF90]  }
0x35: {  	v3 =	vld [tilespmem:s0+$0xFFFFFFA0]  }
0x36: {  	v4 =	vld [tilespmem:s1+$0xFFFFFFB0]  }
0x37: {  	v5 =	vld [tilespmem:s0+$0xFFFFFFB0]  }
0x38: {  	v6 =	vld [tilespmem:s0+$0xFFFFFF80]  }
0x39: {  	v7 =	vld [tilespmem:s1+$0xFFFFFFA0];
	_ =	sdelay $0x2  }
0x3a: {  	v62 =	vmul.f32 v2, v1;
	v63 =	vmul.f32 v5, v4  }
0x3b: {  	v2 =	vmul.f32 v2, v4;
	v1 =	vmul.f32 v5, v1  }
0x3c: {  	v4 =	vmul.f32 v6, v0;
	v5 =	vmul.f32 v3, v7;
	v8 =	vsub.f32 v62, v63  }
0x3d: {  	v0 =	vmul.f32 v3, v0;
	v3 =	vmul.f32 v6, v7;
	v1 =	vadd.f32 v1, v2  }
0x3e: {  	v2 =	vsub.f32 v4, v5;
	[tilespmem:s31+$0xFFFFFF90] =	vst v8  }
0x3f: {  	v0 =	vadd.f32 v0, v3;
	[tilespmem:s31+$0xFFFFFFB0] =	vst v1  }
0x40: {  	[tilespmem:s31+$0xFFFFFF80] =	vst v2  }
0x41: {  	[tilespmem:s31+$0xFFFFFFA0] =	vst v0  }
0x42: {  	v3 =	vld [tilespmem:s0+$0x30]  }
0x43: {  	v1 =	vld [tilespmem:s1+$0x30]  }
0x44: {  	v4 =	vld [tilespmem:s1+$0x10]  }
0x45: {  	s30 =	smul.u32 $0x140, s29;
	v5 =	vld [tilespmem:s0+$0x10]  }
0x46: {  	s9 =	simm.s32 $0x0;
	s10 =	simm.s32 $0x14300;
	v0 =	vld [tilespmem:s1+$0x0]  }
0x47: {  	s14 =	simm.s32 $0xA100;
	s8 =	simm.s32 $0x100;
	s7 =	sadd.s32 s6, s30;
	v2 =	vld [tilespmem:s1+$0x20]  }
.LBB2_3:
0x48: {  	s9 =	sadd.s32 $0x4, s9;
	v6 =	vld [tilespmem:s0+$0x0];
	s1 =	sadd.s32 $0x200, s1;
	s14 =	sadd.s32 $0x200, s14  }
0x49: {  	v8 =	vmul.f32 v3, v1;
	p1 =	slt.u32 s9, $0x9C;
	v7 =	vld [tilespmem:s0+$0x20];
	v3 =	vmul.f32 v3, v4  }
0x4a: {  	v4 =	vmul.f32 v5, v4;
	v1 =	vmul.f32 v5, v1;
	_ =	sdelay $0x1  }
0x4b: {  	v4 =	vsub.f32 v4, v8;
	v1 =	vadd.f32 v3, v1  }
0x4c: {  	v3 =	vmul.f32 v6, v0;
	v5 =	vmul.f32 v6, v2  }
0x4d: {  	v2 =	vmul.f32 v7, v2;
	[tilespmem:s31+$0x10] =	vst v4;
	v0 =	vmul.f32 v7, v0;
	_ =	sdelay $0x1  }
0x4e: {  	v2 =	vsub.f32 v3, v2;
	v0 =	vadd.f32 v0, v5;
	[tilespmem:s31+$0x30] =	vst v1;
	_ =	sdelay $0x1  }
0x4f: {  	[tilespmem:s31+$0x20] =	vst v0  }
0x50: {  	[tilespmem:s31+$0x0] =	vst v2  }
0x51: {  	v0 =	vld [tilespmem:s8+$0x80]  }
0x52: {  	v1 =	vld [tilespmem:s8+$0x90]  }
0x53: {  	v2 =	vld [tilespmem:s0+$0x80]  }
0x54: {  	v3 =	vld [tilespmem:s0+$0xB0]  }
0x55: {  	v4 =	vld [tilespmem:s8+$0xB0]  }
0x56: {  	v5 =	vld [tilespmem:s0+$0xA0]  }
0x57: {  	v6 =	vld [tilespmem:s0+$0x90];
	s0 =	smov.u32 s14  }
0x58: {  	v7 =	vld [tilespmem:s8+$0xA0];
	v8 =	vmul.f32 v2, v0;
	s8 =	smov.u32 s1  }
0x59: {  	v9 =	vmul.f32 v3, v1;
	_ =	sdelay $0x1  }
0x5a: {  	v3 =	vmul.f32 v3, v4;
	v0 =	vmul.f32 v5, v0  }
0x5b: {  	v1 =	vmul.f32 v6, v1;
	v4 =	vmul.f32 v6, v4  }
0x5c: {  	v5 =	vmul.f32 v5, v7;
	v2 =	vmul.f32 v2, v7  }
0x5d: {  	v1 =	vsub.f32 v1, v3;
	v3 =	vadd.f32 v9, v4  }
0x5e: {  	v4 =	vsub.f32 v8, v5;
	v0 =	vadd.f32 v0, v2  }
0x5f: {  	[tilespmem:s31+$0x90] =	vst v1  }
0x60: {  	[tilespmem:s31+$0x80] =	vst v4  }
0x61: {  	[tilespmem:s31+$0xA0] =	vst v0  }
0x62: {  	[tilespmem:s31+$0xB0] =	vst v3;
	s31 =	smov.u32 s10;
	_ =	sdelay $0x1  }
0x63: {  	v0 =	vld [tilespmem:s14+$0xFFFFFF10]  }
0x64: {  	v1 =	vld [tilespmem:s14+$0xFFFFFF30]  }
0x65: {  	v2 =	vld [tilespmem:s1+$0xFFFFFF00]  }
0x66: {  	v3 =	vld [tilespmem:s14+$0xFFFFFF20]  }
0x67: {  	v4 =	vld [tilespmem:s14+$0xFFFFFF00]  }
0x68: {  	v5 =	vld [tilespmem:s1+$0xFFFFFF20]  }
0x69: {  	v6 =	vld [tilespmem:s1+$0xFFFFFF30]  }
0x6a: {  	v7 =	vld [tilespmem:s1+$0xFFFFFF10];
	_ =	sdelay $0x1  }
0x6b: {  	v8 =	vmul.f32 v4, v2  }
0x6c: {  	v2 =	vmul.f32 v3, v2;
	v4 =	vmul.f32 v4, v5  }
0x6d: {  	v3 =	vmul.f32 v3, v5;
	v5 =	vmul.f32 v1, v6  }
0x6e: {  	v9 =	vmul.f32 v0, v7;
	v2 =	vadd.f32 v2, v4;
	v1 =	vmul.f32 v1, v7  }
0x6f: {  	v3 =	vsub.f32 v8, v3;
	v0 =	vmul.f32 v0, v6  }
0x70: {  	v4 =	vsub.f32 v9, v5;
	[tilespmem:s10+$0xFFFFFF20] =	vst v2  }
0x71: {  	v0 =	vadd.f32 v1, v0;
	[tilespmem:s10+$0xFFFFFF00] =	vst v3  }
0x72: {  	[tilespmem:s10+$0xFFFFFF10] =	vst v4  }
0x73: {  	[tilespmem:s10+$0xFFFFFF30] =	vst v0  }
0x74: {  	v0 =	vld [tilespmem:s1+$0xFFFFFF80]  }
0x75: {  	v1 =	vld [tilespmem:s1+$0xFFFFFF90]  }
0x76: {  	v2 =	vld [tilespmem:s14+$0xFFFFFF90]  }
0x77: {  	v3 =	vld [tilespmem:s14+$0xFFFFFFA0]  }
0x78: {  	v4 =	vld [tilespmem:s14+$0xFFFFFF80]  }
0x79: {  	v5 =	vld [tilespmem:s1+$0xFFFFFFB0]  }
0x7a: {  	v6 =	vld [tilespmem:s14+$0xFFFFFFB0]  }
0x7b: {  	v7 =	vmul.f32 v2, v1  }
0x7c: {  	v8 =	vld [tilespmem:s1+$0xFFFFFFA0];
	v9 =	vmul.f32 v3, v0  }
0x7d: {  	v0 =	vmul.f32 v4, v0  }
0x7e: {  	v2 =	vmul.f32 v2, v5  }
0x7f: {  	v5 =	vmul.f32 v6, v5;
	v1 =	vmul.f32 v6, v1;
	_ =	sdelay $0x1  }
0x80: {  	v3 =	vmul.f32 v3, v8;
	v5 =	vsub.f32 v7, v5;
	v4 =	vmul.f32 v4, v8  }
0x81: {  	v1 =	vadd.f32 v1, v2  }
0x82: {  	v0 =	vsub.f32 v0, v3;
	[tilespmem:s10+$0xFFFFFF90] =	vst v5;
	v2 =	vadd.f32 v9, v4  }
0x83: {  	[tilespmem:s10+$0xFFFFFFB0] =	vst v1  }
0x84: {  	[tilespmem:s10+$0xFFFFFF80] =	vst v0;
	_ =	sdelay $0x3  }
0x85: {  	[tilespmem:s10+$0xFFFFFFA0] =	vst v2  }
0x86: {  	v3 =	vld [tilespmem:s14+$0x30]  }
.Ltmp0:
0x87: {  	v1 =	vld [tilespmem:s1+$0x30];
	(pc) =	sbr.rel @p1 .LBB2_3-.Ltmp0, $4  }
0x88: {  	v4 =	vld [tilespmem:s1+$0x10]  }
0x89: {  	v5 =	vld [tilespmem:s14+$0x10]  }
0x8a: {  	v0 =	vld [tilespmem:s1+$0x0]  }
0x8b: {  	s10 =	sadd.s32 $0x200, s10;
	v2 =	vld [tilespmem:s1+$0x20]  }
0x8c: {  	v6 =	vld [tilespmem:s0+$0x0]  }
0x8d: {  	v7 =	vld [tilespmem:s0+$0x20];
	_ =	sdelay $0x2  }
0x8e: {  	v8 =	vmul.f32 v3, v1;
	v9 =	vmul.f32 v5, v4  }
0x8f: {  	v3 =	vmul.f32 v3, v4;
	v1 =	vmul.f32 v5, v1  }
0x90: {  	v4 =	vsub.f32 v9, v8;
	v5 =	vmul.f32 v6, v2;
	v57 =	vmul.f32 v7, v0  }
0x91: {  	v1 =	vadd.f32 v3, v1;
	v0 =	vmul.f32 v6, v0;
	v2 =	vmul.f32 v7, v2  }
0x92: {  	[tilespmem:s31+$0x10] =	vst v4;
	v3 =	vadd.f32 v57, v5  }
0x93: {  	[tilespmem:s31+$0x30] =	vst v1;
	v0 =	vsub.f32 v0, v2  }
0x94: {  	[tilespmem:s31+$0x20] =	vst v3  }
0x95: {  	[tilespmem:s31+$0x0] =	vst v0  }
0x96: {  	v0 =	vld [tilespmem:s8+$0x80]  }
0x97: {  	v1 =	vld [tilespmem:s8+$0x90]  }
0x98: {  	v2 =	vld [tilespmem:s0+$0x80]  }
0x99: {  	v3 =	vld [tilespmem:s0+$0xB0]  }
0x9a: {  	v4 =	vld [tilespmem:s8+$0xB0]  }
0x9b: {  	v5 =	vld [tilespmem:s0+$0xA0]  }
0x9c: {  	v6 =	vld [tilespmem:s0+$0x90]  }
0x9d: {  	v7 =	vld [tilespmem:s8+$0xA0];
	_ =	sdelay $0x3  }
0x9e: {  	v58 =	vmul.f32 v3, v4;
	v59 =	vmul.f32 v6, v1  }
0x9f: {  	v10 =	vmul.f32 v2, v0;
	v11 =	vmul.f32 v5, v7  }
0xa0: {  	v0 =	vmul.f32 v5, v0;
	v2 =	vmul.f32 v2, v7;
	v5 =	vsub.f32 v59, v58  }
0xa1: {  	v1 =	vmul.f32 v3, v1;
	v3 =	vmul.f32 v6, v4;
	v4 =	vsub.f32 v10, v11  }
0xa2: {  	v0 =	vadd.f32 v0, v2;
	[tilespmem:s31+$0x90] =	vst v5  }
0xa3: {  	v1 =	vadd.f32 v1, v3;
	[tilespmem:s31+$0x80] =	vst v4  }
0xa4: {  	s10 =	sshll.u32 s7, $0x4;
	[tilespmem:s31+$0xA0] =	vst v0  }
0xa5: {  	s14 =	sadd.s32 s30, s11;
	s0 =	sadd.s32 s5, s10;
	[tilespmem:s31+$0xB0] =	vst v1  }
0xa6: {  	[hbm4b:s0+s2] =	stream.linear.scatter [tilespmem:s21], [sflag:$0x5], $0x5000, $0x38;
	[tilespmem:$0x1E000] =	vst v63  }
0xa7: {  	s0 =	sshll.u32 s14, $0x4  }
0xa8: {  	s1 =	sadd.s32 s3, s0  }
0xa9: {  	[tilespmem:s2], [sflag:$0x1] =	stream.linear.gather [hbm4b:s1+s2], $0x5000, $0x38;
	[tilespmem:$0x1E000] =	vst v63  }
0xaa: {  	s0 =	sadd.s32 s4, s0  }
0xab: {  	[tilespmem:s16], [sflag:$0x3] =	stream.linear.gather [hbm4b:s0+s2], $0x5000, $0x38;
	[tilespmem:$0x1E000] =	vst v63  }
0xac: {  	_ =	swait.ge [sflag:s22], $0x5000  }
0xad: {  	[sflag:s22] =	ssyncset.done $0x0  }
0xae: {  	[sflag:s22] =	ssyncadd.s32 $0xFFFFB000  }
0xaf: {  	_ =	swait.ge [sflag:s23], $0x5000  }
0xb0: {  	[sflag:s23] =	ssyncset.done $0x0  }
0xb1: {  	s0 =	simm.s32 @!p0 $0x6;
	[sflag:s23] =	ssyncadd.s32 $0xFFFFB000  }
0xb2: {  	_ =	swait.ge @!p0 [sflag:s0], $0x5000  }
0xb3: {  	[sflag:s0] =	ssyncset.done @!p0 $0x0  }
0xb4: {  	s31 =	simm.s32 $0xF100;
	[sflag:s0] =	ssyncadd.s32 @!p0 $0xFFFFB000  }
0xb5: {  	v0 =	vld [tilespmem:s31+$0xFFFFFF10]  }
0xb6: {  	s1 =	simm.s32 $0x5100;
	v1 =	vld [tilespmem:s31+$0xFFFFFF30]  }
0xb7: {  	v2 =	vld [tilespmem:s1+$0xFFFFFF00]  }
0xb8: {  	v3 =	vld [tilespmem:s31+$0xFFFFFF20]  }
0xb9: {  	v4 =	vld [tilespmem:s31+$0xFFFFFF00]  }
0xba: {  	v5 =	vld [tilespmem:s1+$0xFFFFFF20]  }
0xbb: {  	v6 =	vld [tilespmem:s1+$0xFFFFFF30]  }
0xbc: {  	v7 =	vld [tilespmem:s1+$0xFFFFFF10];
	_ =	sdelay $0x2  }
0xbd: {  	v60 =	vmul.f32 v4, v5;
	v61 =	vmul.f32 v3, v2  }
0xbe: {  	v2 =	vmul.f32 v4, v2;
	v3 =	vmul.f32 v3, v5  }
0xbf: {  	v4 =	vmul.f32 v1, v6;
	v5 =	vmul.f32 v0, v7;
	v8 =	vadd.f32 v61, v60  }
0xc0: {  	s0 =	simm.s32 $0x19100;
	v1 =	vmul.f32 v1, v7;
	v0 =	vmul.f32 v0, v6;
	v2 =	vsub.f32 v2, v3  }
0xc1: {  	v3 =	vsub.f32 v5, v4;
	[tilespmem:s0+$0xFFFFFF20] =	vst v8  }
0xc2: {  	v0 =	vadd.f32 v1, v0;
	[tilespmem:s0+$0xFFFFFF00] =	vst v2  }
0xc3: {  	[tilespmem:s0+$0xFFFFFF10] =	vst v3  }
0xc4: {  	[tilespmem:s0+$0xFFFFFF30] =	vst v0  }
0xc5: {  	v0 =	vld [tilespmem:s1+$0xFFFFFF80]  }
0xc6: {  	v1 =	vld [tilespmem:s1+$0xFFFFFF90]  }
0xc7: {  	v2 =	vld [tilespmem:s31+$0xFFFFFF90]  }
0xc8: {  	v3 =	vld [tilespmem:s31+$0xFFFFFFA0]  }
0xc9: {  	v4 =	vld [tilespmem:s1+$0xFFFFFFB0]  }
0xca: {  	v5 =	vld [tilespmem:s31+$0xFFFFFFB0]  }
0xcb: {  	v6 =	vld [tilespmem:s31+$0xFFFFFF80]  }
0xcc: {  	v7 =	vld [tilespmem:s1+$0xFFFFFFA0];
	_ =	sdelay $0x2  }
0xcd: {  	v62 =	vmul.f32 v2, v1;
	v63 =	vmul.f32 v5, v4  }
0xce: {  	v2 =	vmul.f32 v2, v4;
	v1 =	vmul.f32 v5, v1  }
0xcf: {  	v4 =	vmul.f32 v6, v0;
	v5 =	vmul.f32 v3, v7;
	v8 =	vsub.f32 v62, v63  }
0xd0: {  	v0 =	vmul.f32 v3, v0;
	v3 =	vmul.f32 v6, v7;
	v1 =	vadd.f32 v1, v2  }
0xd1: {  	v2 =	vsub.f32 v4, v5;
	[tilespmem:s0+$0xFFFFFF90] =	vst v8  }
0xd2: {  	v0 =	vadd.f32 v0, v3;
	[tilespmem:s0+$0xFFFFFFB0] =	vst v1  }
0xd3: {  	[tilespmem:s0+$0xFFFFFF80] =	vst v2  }
0xd4: {  	[tilespmem:s0+$0xFFFFFFA0] =	vst v0  }
0xd5: {  	v3 =	vld [tilespmem:s31+$0x30]  }
0xd6: {  	v2 =	vld [tilespmem:s1+$0x30]  }
0xd7: {  	v4 =	vld [tilespmem:s1+$0x10]  }
0xd8: {  	v5 =	vld [tilespmem:s31+$0x10]  }
0xd9: {  	s7 =	sadd.s32 s30, s12;
	s9 =	simm.s32 $0x0;
	v0 =	vld [tilespmem:s1+$0x0]  }
0xda: {  	s10 =	simm.s32 $0x19300;
	s8 =	simm.s32 $0x5100;
	s14 =	simm.s32 $0xF100;
	v1 =	vld [tilespmem:s1+$0x20]  }
.LBB2_5:
0xdb: {  	s9 =	sadd.s32 $0x4, s9;
	v6 =	vld [tilespmem:s31+$0x0];
	s1 =	sadd.s32 $0x200, s1;
	s14 =	sadd.s32 $0x200, s14  }
0xdc: {  	v8 =	vmul.f32 v3, v2;
	p0 =	slt.u32 s9, $0x9C;
	v7 =	vld [tilespmem:s31+$0x20];
	v3 =	vmul.f32 v3, v4  }
0xdd: {  	v4 =	vmul.f32 v5, v4;
	v2 =	vmul.f32 v5, v2;
	_ =	sdelay $0x1  }
0xde: {  	v4 =	vsub.f32 v4, v8;
	v2 =	vadd.f32 v3, v2  }
0xdf: {  	v3 =	vmul.f32 v6, v0;
	v5 =	vmul.f32 v6, v1  }
0xe0: {  	v1 =	vmul.f32 v7, v1;
	[tilespmem:s0+$0x10] =	vst v4;
	v0 =	vmul.f32 v7, v0;
	_ =	sdelay $0x1  }
0xe1: {  	v1 =	vsub.f32 v3, v1;
	v0 =	vadd.f32 v0, v5;
	[tilespmem:s0+$0x30] =	vst v2;
	_ =	sdelay $0x1  }
0xe2: {  	[tilespmem:s0+$0x20] =	vst v0  }
0xe3: {  	[tilespmem:s0+$0x0] =	vst v1  }
0xe4: {  	v0 =	vld [tilespmem:s8+$0x80]  }
0xe5: {  	v1 =	vld [tilespmem:s8+$0x90]  }
0xe6: {  	v2 =	vld [tilespmem:s31+$0x80]  }
0xe7: {  	v3 =	vld [tilespmem:s31+$0xB0]  }
0xe8: {  	v4 =	vld [tilespmem:s8+$0xB0]  }
0xe9: {  	v5 =	vld [tilespmem:s31+$0xA0]  }
0xea: {  	v6 =	vld [tilespmem:s31+$0x90];
	s31 =	smov.u32 s14  }
0xeb: {  	v7 =	vld [tilespmem:s8+$0xA0];
	v8 =	vmul.f32 v2, v0;
	s8 =	smov.u32 s1  }
0xec: {  	v9 =	vmul.f32 v3, v1;
	_ =	sdelay $0x1  }
0xed: {  	v3 =	vmul.f32 v3, v4;
	v0 =	vmul.f32 v5, v0  }
0xee: {  	v1 =	vmul.f32 v6, v1;
	v4 =	vmul.f32 v6, v4  }
0xef: {  	v5 =	vmul.f32 v5, v7;
	v2 =	vmul.f32 v2, v7  }
0xf0: {  	v1 =	vsub.f32 v1, v3;
	v3 =	vadd.f32 v9, v4  }
0xf1: {  	v4 =	vsub.f32 v8, v5;
	v0 =	vadd.f32 v0, v2  }
0xf2: {  	[tilespmem:s0+$0x90] =	vst v1  }
0xf3: {  	[tilespmem:s0+$0x80] =	vst v4  }
0xf4: {  	[tilespmem:s0+$0xA0] =	vst v0  }
0xf5: {  	[tilespmem:s0+$0xB0] =	vst v3;
	s0 =	smov.u32 s10;
	_ =	sdelay $0x1  }
0xf6: {  	v0 =	vld [tilespmem:s14+$0xFFFFFF10]  }
0xf7: {  	v1 =	vld [tilespmem:s14+$0xFFFFFF30]  }
0xf8: {  	v2 =	vld [tilespmem:s1+$0xFFFFFF00]  }
0xf9: {  	v3 =	vld [tilespmem:s14+$0xFFFFFF20]  }
0xfa: {  	v4 =	vld [tilespmem:s14+$0xFFFFFF00]  }
0xfb: {  	v5 =	vld [tilespmem:s1+$0xFFFFFF20]  }
0xfc: {  	v6 =	vld [tilespmem:s1+$0xFFFFFF30]  }
0xfd: {  	v7 =	vld [tilespmem:s1+$0xFFFFFF10];
	_ =	sdelay $0x1  }
0xfe: {  	v8 =	vmul.f32 v4, v2  }
0xff: {  	v2 =	vmul.f32 v3, v2;
	v4 =	vmul.f32 v4, v5  }
0x100: {  	v3 =	vmul.f32 v3, v5;
	v5 =	vmul.f32 v1, v6  }
0x101: {  	v9 =	vmul.f32 v0, v7;
	v2 =	vadd.f32 v2, v4;
	v1 =	vmul.f32 v1, v7  }
0x102: {  	v3 =	vsub.f32 v8, v3;
	v0 =	vmul.f32 v0, v6  }
0x103: {  	v4 =	vsub.f32 v9, v5;
	[tilespmem:s10+$0xFFFFFF20] =	vst v2  }
0x104: {  	v0 =	vadd.f32 v1, v0;
	[tilespmem:s10+$0xFFFFFF00] =	vst v3  }
0x105: {  	[tilespmem:s10+$0xFFFFFF10] =	vst v4  }
0x106: {  	[tilespmem:s10+$0xFFFFFF30] =	vst v0  }
0x107: {  	v0 =	vld [tilespmem:s1+$0xFFFFFF80]  }
0x108: {  	v1 =	vld [tilespmem:s1+$0xFFFFFF90]  }
0x109: {  	v2 =	vld [tilespmem:s14+$0xFFFFFF90]  }
0x10a: {  	v3 =	vld [tilespmem:s14+$0xFFFFFFA0]  }
0x10b: {  	v4 =	vld [tilespmem:s14+$0xFFFFFF80]  }
0x10c: {  	v5 =	vld [tilespmem:s1+$0xFFFFFFB0]  }
0x10d: {  	v6 =	vld [tilespmem:s14+$0xFFFFFFB0]  }
0x10e: {  	v7 =	vmul.f32 v2, v1  }
0x10f: {  	v8 =	vld [tilespmem:s1+$0xFFFFFFA0];
	v9 =	vmul.f32 v3, v0  }
0x110: {  	v0 =	vmul.f32 v4, v0  }
0x111: {  	v2 =	vmul.f32 v2, v5  }
0x112: {  	v5 =	vmul.f32 v6, v5;
	v1 =	vmul.f32 v6, v1;
	_ =	sdelay $0x1  }
0x113: {  	v3 =	vmul.f32 v3, v8;
	v5 =	vsub.f32 v7, v5;
	v4 =	vmul.f32 v4, v8  }
0x114: {  	v1 =	vadd.f32 v1, v2  }
0x115: {  	v0 =	vsub.f32 v0, v3;
	[tilespmem:s10+$0xFFFFFF90] =	vst v5;
	v2 =	vadd.f32 v9, v4  }
0x116: {  	[tilespmem:s10+$0xFFFFFFB0] =	vst v1  }
0x117: {  	[tilespmem:s10+$0xFFFFFF80] =	vst v0;
	_ =	sdelay $0x3  }
0x118: {  	[tilespmem:s10+$0xFFFFFFA0] =	vst v2  }
0x119: {  	v3 =	vld [tilespmem:s14+$0x30]  }
.Ltmp1:
0x11a: {  	v2 =	vld [tilespmem:s1+$0x30];
	(pc) =	sbr.rel @p0 .LBB2_5-.Ltmp1, $4  }
0x11b: {  	v4 =	vld [tilespmem:s1+$0x10]  }
0x11c: {  	v5 =	vld [tilespmem:s14+$0x10]  }
0x11d: {  	v0 =	vld [tilespmem:s1+$0x0]  }
0x11e: {  	s10 =	sadd.s32 $0x200, s10;
	v1 =	vld [tilespmem:s1+$0x20]  }
0x11f: {  	v6 =	vld [tilespmem:s31+$0x0]  }
0x120: {  	v7 =	vld [tilespmem:s31+$0x20];
	_ =	sdelay $0x2  }
0x121: {  	v8 =	vmul.f32 v3, v2;
	v9 =	vmul.f32 v5, v4  }
0x122: {  	v47 =	vmul.f32 v3, v4;
	v48 =	vmul.f32 v5, v2  }
0x123: {  	v49 =	vsub.f32 v9, v8;
	v50 =	vmul.f32 v6, v1;
	v51 =	vmul.f32 v7, v0  }
0x124: {  	v2 =	vadd.f32 v47, v48;
	v52 =	vmul.f32 v6, v0;
	v53 =	vmul.f32 v7, v1  }
0x125: {  	[tilespmem:s0+$0x10] =	vst v49;
	v54 =	vadd.f32 v51, v50  }
0x126: {  	[tilespmem:s0+$0x30] =	vst v2;
	v0 =	vsub.f32 v52, v53  }
0x127: {  	[tilespmem:s0+$0x20] =	vst v54  }
0x128: {  	[tilespmem:s0+$0x0] =	vst v0  }
0x129: {  	v0 =	vld [tilespmem:s8+$0x80]  }
0x12a: {  	v55 =	vld [tilespmem:s8+$0x90]  }
0x12b: {  	v2 =	vld [tilespmem:s31+$0x80]  }
0x12c: {  	v3 =	vld [tilespmem:s31+$0xB0]  }
0x12d: {  	v4 =	vld [tilespmem:s8+$0xB0]  }
0x12e: {  	v56 =	vld [tilespmem:s31+$0xA0]  }
0x12f: {  	v57 =	vld [tilespmem:s31+$0x90]  }
0x130: {  	v58 =	vld [tilespmem:s8+$0xA0];
	_ =	sdelay $0x3  }
0x131: {  	v59 =	vmul.f32 v3, v4;
	v60 =	vmul.f32 v57, v55  }
0x132: {  	v10 =	vmul.f32 v2, v0;
	v11 =	vmul.f32 v56, v58  }
0x133: {  	v0 =	vmul.f32 v56, v0;
	v2 =	vmul.f32 v2, v58;
	v61 =	vsub.f32 v60, v59  }
0x134: {  	p0 =	seq.s32 s29, $0x3D;
	v1 =	vmul.f32 v3, v55;
	v62 =	vmul.f32 v57, v4;
	v63 =	vsub.f32 v10, v11  }
.Ltmp2:
0x135: {  	v0 =	vadd.f32 v0, v2;
	[tilespmem:s0+$0x90] =	vst v61;
	(pc) =	sbr.rel @p0 .LBB2_8-.Ltmp2, $4  }
0x136: {  	v1 =	vadd.f32 v1, v62;
	[tilespmem:s0+$0x80] =	vst v63  }
0x137: {  	s1 =	sshll.u32 s7, $0x4;
	[tilespmem:s0+$0xA0] =	vst v0  }
0x138: {  	s31 =	sadd.s32 s5, s1;
	[tilespmem:s0+$0xB0] =	vst v1  }
0x139: {  	[hbm4b:s31+s2] =	stream.linear.scatter [tilespmem:s24], [sflag:$0x6], $0x5000, $0x38;
	[tilespmem:$0x1E000] =	vst v63  }
0x13a: {  	s0 =	sadd.s32 s30, s13  }
.Ltmp3:
0x13b: {  	s0 =	sshll.u32 s0, $0x4;
	(pc) =	sbr.rel .LBB2_2-.Ltmp3, $4  }
0x13c: {  	s1 =	sadd.s32 s3, s0  }
0x13d: {  	[tilespmem:s17], [sflag:$0x2] =	stream.linear.gather [hbm4b:s1+s2], $0x5000, $0x38;
	[tilespmem:$0x1E000] =	vst v63  }
0x13e: {  	s29 =	sadd.s32 $0x1, s29;
	s0 =	sadd.s32 s4, s0  }
0x13f: {  	[tilespmem:s18], [sflag:$0x4] =	stream.linear.gather [hbm4b:s0+s2], $0x5000, $0x38;
	[tilespmem:$0x1E000] =	vst v63  }
.LBB2_8:
0x140: {  	_ =	swait.ge [sflag:s19], $0x5000  }
0x141: {  	[sflag:s19] =	ssyncset.done $0x0  }
0x142: {  	[sflag:s19] =	ssyncadd.s32 $0xFFFFB000  }
0x143: {  	_ =	swait.ge [sflag:s20], $0x5000  }
0x144: {  	[sflag:s20] =	ssyncset.done $0x0  }
0x145: {  	[sflag:s20] =	ssyncadd.s32 $0xFFFFB000  }
0x146: {  	_ =	swait.ge [sflag:s25], $0x5000  }
0x147: {  	[sflag:s25] =	ssyncset.done $0x0  }
0x148: {  	s0 =	simm.s32 $0xA100;
	[sflag:s25] =	ssyncadd.s32 $0xFFFFB000  }
0x149: {  	v0 =	vld [tilespmem:s0+$0xFFFFFF10]  }
0x14a: {  	s1 =	simm.s32 $0x100;
	v1 =	vld [tilespmem:s0+$0xFFFFFF30]  }
0x14b: {  	v2 =	vld [tilespmem:s1+$0xFFFFFF00]  }
0x14c: {  	v3 =	vld [tilespmem:s0+$0xFFFFFF20]  }
0x14d: {  	v4 =	vld [tilespmem:s0+$0xFFFFFF00]  }
0x14e: {  	v5 =	vld [tilespmem:s1+$0xFFFFFF20]  }
0x14f: {  	v6 =	vld [tilespmem:s1+$0xFFFFFF30]  }
0x150: {  	v7 =	vld [tilespmem:s1+$0xFFFFFF10];
	_ =	sdelay $0x2  }
0x151: {  	v8 =	vmul.f32 v4, v5;
	v9 =	vmul.f32 v3, v2  }
0x152: {  	v2 =	vmul.f32 v4, v2;
	v3 =	vmul.f32 v3, v5  }
0x153: {  	v4 =	vmul.f32 v1, v6;
	v5 =	vmul.f32 v0, v7;
	v8 =	vadd.f32 v9, v8  }
0x154: {  	s29 =	simm.s32 $0x14100;
	v1 =	vmul.f32 v1, v7;
	v0 =	vmul.f32 v0, v6;
	v2 =	vsub.f32 v2, v3  }
0x155: {  	v3 =	vsub.f32 v5, v4;
	[tilespmem:s29+$0xFFFFFF20] =	vst v8  }
0x156: {  	v0 =	vadd.f32 v1, v0;
	[tilespmem:s29+$0xFFFFFF00] =	vst v2  }
0x157: {  	[tilespmem:s29+$0xFFFFFF10] =	vst v3  }
0x158: {  	[tilespmem:s29+$0xFFFFFF30] =	vst v0  }
0x159: {  	v0 =	vld [tilespmem:s1+$0xFFFFFF80]  }
0x15a: {  	v1 =	vld [tilespmem:s1+$0xFFFFFF90]  }
0x15b: {  	v2 =	vld [tilespmem:s0+$0xFFFFFF90]  }
0x15c: {  	v3 =	vld [tilespmem:s0+$0xFFFFFFA0]  }
0x15d: {  	v4 =	vld [tilespmem:s1+$0xFFFFFFB0]  }
0x15e: {  	v5 =	vld [tilespmem:s0+$0xFFFFFFB0]  }
0x15f: {  	v6 =	vld [tilespmem:s0+$0xFFFFFF80]  }
0x160: {  	v7 =	vld [tilespmem:s1+$0xFFFFFFA0];
	_ =	sdelay $0x2  }
0x161: {  	v62 =	vmul.f32 v2, v1;
	v63 =	vmul.f32 v5, v4  }
0x162: {  	v2 =	vmul.f32 v2, v4;
	v1 =	vmul.f32 v5, v1  }
0x163: {  	v4 =	vmul.f32 v6, v0;
	v5 =	vmul.f32 v3, v7;
	v8 =	vsub.f32 v62, v63  }
0x164: {  	v0 =	vmul.f32 v3, v0;
	v3 =	vmul.f32 v6, v7;
	v1 =	vadd.f32 v1, v2  }
0x165: {  	v2 =	vsub.f32 v4, v5;
	[tilespmem:s29+$0xFFFFFF90] =	vst v8  }
0x166: {  	v0 =	vadd.f32 v0, v3;
	[tilespmem:s29+$0xFFFFFFB0] =	vst v1  }
0x167: {  	[tilespmem:s29+$0xFFFFFF80] =	vst v2  }
0x168: {  	[tilespmem:s29+$0xFFFFFFA0] =	vst v0  }
0x169: {  	v3 =	vld [tilespmem:s0+$0x30]  }
0x16a: {  	v2 =	vld [tilespmem:s1+$0x30]  }
0x16b: {  	v4 =	vld [tilespmem:s1+$0x10]  }
0x16c: {  	v5 =	vld [tilespmem:s0+$0x10]  }
0x16d: {  	s8 =	simm.s32 $0x0;
	v0 =	vld [tilespmem:s1+$0x0]  }
0x16e: {  	s9 =	simm.s32 $0x14300;
	s10 =	simm.s32 $0xA100;
	s7 =	simm.s32 $0x100;
	v1 =	vld [tilespmem:s1+$0x20]  }
.LBB2_9:
0x16f: {  	s8 =	sadd.s32 $0x4, s8;
	v6 =	vld [tilespmem:s0+$0x0];
	s1 =	sadd.s32 $0x200, s1;
	s10 =	sadd.s32 $0x200, s10  }
0x170: {  	v8 =	vmul.f32 v3, v2;
	p0 =	slt.u32 s8, $0x9C;
	v7 =	vld [tilespmem:s0+$0x20];
	v3 =	vmul.f32 v3, v4  }
0x171: {  	v4 =	vmul.f32 v5, v4;
	v2 =	vmul.f32 v5, v2;
	_ =	sdelay $0x1  }
0x172: {  	v4 =	vsub.f32 v4, v8;
	v2 =	vadd.f32 v3, v2  }
0x173: {  	v3 =	vmul.f32 v6, v0;
	v5 =	vmul.f32 v6, v1  }
0x174: {  	v1 =	vmul.f32 v7, v1;
	[tilespmem:s29+$0x10] =	vst v4;
	v0 =	vmul.f32 v7, v0;
	_ =	sdelay $0x1  }
0x175: {  	v1 =	vsub.f32 v3, v1;
	v0 =	vadd.f32 v0, v5;
	[tilespmem:s29+$0x30] =	vst v2;
	_ =	sdelay $0x1  }
0x176: {  	[tilespmem:s29+$0x20] =	vst v0  }
0x177: {  	[tilespmem:s29+$0x0] =	vst v1  }
0x178: {  	v0 =	vld [tilespmem:s7+$0x80]  }
0x179: {  	v1 =	vld [tilespmem:s7+$0x90]  }
0x17a: {  	v2 =	vld [tilespmem:s0+$0x80]  }
0x17b: {  	v3 =	vld [tilespmem:s0+$0xB0]  }
0x17c: {  	v4 =	vld [tilespmem:s7+$0xB0]  }
0x17d: {  	v5 =	vld [tilespmem:s0+$0xA0]  }
0x17e: {  	v6 =	vld [tilespmem:s0+$0x90];
	s0 =	smov.u32 s10  }
0x17f: {  	v7 =	vld [tilespmem:s7+$0xA0];
	v8 =	vmul.f32 v2, v0;
	s7 =	smov.u32 s1  }
0x180: {  	v9 =	vmul.f32 v3, v1;
	_ =	sdelay $0x1  }
0x181: {  	v3 =	vmul.f32 v3, v4;
	v0 =	vmul.f32 v5, v0  }
0x182: {  	v1 =	vmul.f32 v6, v1;
	v4 =	vmul.f32 v6, v4  }
0x183: {  	v5 =	vmul.f32 v5, v7;
	v2 =	vmul.f32 v2, v7  }
0x184: {  	v1 =	vsub.f32 v1, v3;
	v3 =	vadd.f32 v9, v4  }
0x185: {  	v4 =	vsub.f32 v8, v5;
	v0 =	vadd.f32 v0, v2  }
0x186: {  	[tilespmem:s29+$0x90] =	vst v1  }
0x187: {  	[tilespmem:s29+$0x80] =	vst v4  }
0x188: {  	[tilespmem:s29+$0xA0] =	vst v0  }
0x189: {  	[tilespmem:s29+$0xB0] =	vst v3;
	s29 =	smov.u32 s9;
	_ =	sdelay $0x1  }
0x18a: {  	v0 =	vld [tilespmem:s10+$0xFFFFFF10]  }
0x18b: {  	v1 =	vld [tilespmem:s10+$0xFFFFFF30]  }
0x18c: {  	v2 =	vld [tilespmem:s1+$0xFFFFFF00]  }
0x18d: {  	v3 =	vld [tilespmem:s10+$0xFFFFFF20]  }
0x18e: {  	v4 =	vld [tilespmem:s10+$0xFFFFFF00]  }
0x18f: {  	v5 =	vld [tilespmem:s1+$0xFFFFFF20]  }
0x190: {  	v6 =	vld [tilespmem:s1+$0xFFFFFF30]  }
0x191: {  	v7 =	vld [tilespmem:s1+$0xFFFFFF10];
	_ =	sdelay $0x1  }
0x192: {  	v8 =	vmul.f32 v4, v2  }
0x193: {  	v2 =	vmul.f32 v3, v2;
	v4 =	vmul.f32 v4, v5  }
0x194: {  	v3 =	vmul.f32 v3, v5;
	v5 =	vmul.f32 v1, v6  }
0x195: {  	v9 =	vmul.f32 v0, v7;
	v2 =	vadd.f32 v2, v4;
	v1 =	vmul.f32 v1, v7  }
0x196: {  	v3 =	vsub.f32 v8, v3;
	v0 =	vmul.f32 v0, v6  }
0x197: {  	v4 =	vsub.f32 v9, v5;
	[tilespmem:s9+$0xFFFFFF20] =	vst v2  }
0x198: {  	v0 =	vadd.f32 v1, v0;
	[tilespmem:s9+$0xFFFFFF00] =	vst v3  }
0x199: {  	[tilespmem:s9+$0xFFFFFF10] =	vst v4  }
0x19a: {  	[tilespmem:s9+$0xFFFFFF30] =	vst v0  }
0x19b: {  	v0 =	vld [tilespmem:s1+$0xFFFFFF80]  }
0x19c: {  	v1 =	vld [tilespmem:s1+$0xFFFFFF90]  }
0x19d: {  	v2 =	vld [tilespmem:s10+$0xFFFFFF90]  }
0x19e: {  	v3 =	vld [tilespmem:s10+$0xFFFFFFA0]  }
0x19f: {  	v4 =	vld [tilespmem:s10+$0xFFFFFF80]  }
0x1a0: {  	v5 =	vld [tilespmem:s1+$0xFFFFFFB0]  }
0x1a1: {  	v6 =	vld [tilespmem:s10+$0xFFFFFFB0]  }
0x1a2: {  	v7 =	vmul.f32 v2, v1  }
0x1a3: {  	v8 =	vld [tilespmem:s1+$0xFFFFFFA0];
	v9 =	vmul.f32 v3, v0  }
0x1a4: {  	v0 =	vmul.f32 v4, v0  }
0x1a5: {  	v2 =	vmul.f32 v2, v5  }
0x1a6: {  	v5 =	vmul.f32 v6, v5;
	v1 =	vmul.f32 v6, v1;
	_ =	sdelay $0x1  }
0x1a7: {  	v3 =	vmul.f32 v3, v8;
	v5 =	vsub.f32 v7, v5;
	v4 =	vmul.f32 v4, v8  }
0x1a8: {  	v1 =	vadd.f32 v1, v2  }
0x1a9: {  	v0 =	vsub.f32 v0, v3;
	[tilespmem:s9+$0xFFFFFF90] =	vst v5;
	v2 =	vadd.f32 v9, v4  }
0x1aa: {  	[tilespmem:s9+$0xFFFFFFB0] =	vst v1  }
0x1ab: {  	[tilespmem:s9+$0xFFFFFF80] =	vst v0;
	_ =	sdelay $0x3  }
0x1ac: {  	[tilespmem:s9+$0xFFFFFFA0] =	vst v2  }
0x1ad: {  	v3 =	vld [tilespmem:s10+$0x30]  }
.Ltmp4:
0x1ae: {  	v2 =	vld [tilespmem:s1+$0x30];
	(pc) =	sbr.rel @p0 .LBB2_9-.Ltmp4, $4  }
0x1af: {  	v4 =	vld [tilespmem:s1+$0x10]  }
0x1b0: {  	v5 =	vld [tilespmem:s10+$0x10]  }
0x1b1: {  	v0 =	vld [tilespmem:s1+$0x0]  }
0x1b2: {  	s9 =	sadd.s32 $0x200, s9;
	v1 =	vld [tilespmem:s1+$0x20]  }
0x1b3: {  	v6 =	vld [tilespmem:s0+$0x0]  }
0x1b4: {  	v7 =	vld [tilespmem:s0+$0x20];
	_ =	sdelay $0x2  }
0x1b5: {  	v8 =	vmul.f32 v3, v2;
	v9 =	vmul.f32 v5, v4  }
0x1b6: {  	v47 =	vmul.f32 v3, v4;
	v48 =	vmul.f32 v5, v2  }
0x1b7: {  	v49 =	vsub.f32 v9, v8;
	v50 =	vmul.f32 v6, v1;
	v51 =	vmul.f32 v7, v0  }
0x1b8: {  	v2 =	vadd.f32 v47, v48;
	v52 =	vmul.f32 v6, v0;
	v53 =	vmul.f32 v7, v1  }
0x1b9: {  	[tilespmem:s29+$0x10] =	vst v49;
	v54 =	vadd.f32 v51, v50  }
0x1ba: {  	[tilespmem:s29+$0x30] =	vst v2;
	v0 =	vsub.f32 v52, v53  }
0x1bb: {  	[tilespmem:s29+$0x20] =	vst v54  }
0x1bc: {  	[tilespmem:s29+$0x0] =	vst v0  }
0x1bd: {  	v0 =	vld [tilespmem:s7+$0x80]  }
0x1be: {  	v55 =	vld [tilespmem:s7+$0x90]  }
0x1bf: {  	v2 =	vld [tilespmem:s0+$0x80]  }
0x1c0: {  	v3 =	vld [tilespmem:s0+$0xB0]  }
0x1c1: {  	v4 =	vld [tilespmem:s7+$0xB0]  }
0x1c2: {  	v56 =	vld [tilespmem:s0+$0xA0]  }
0x1c3: {  	v57 =	vld [tilespmem:s0+$0x90]  }
0x1c4: {  	v58 =	vld [tilespmem:s7+$0xA0];
	_ =	sdelay $0x3  }
0x1c5: {  	v59 =	vmul.f32 v3, v4;
	v60 =	vmul.f32 v57, v55  }
0x1c6: {  	v10 =	vmul.f32 v2, v0;
	v11 =	vmul.f32 v56, v58  }
0x1c7: {  	v0 =	vmul.f32 v56, v0;
	v2 =	vmul.f32 v2, v58;
	v61 =	vsub.f32 v60, v59  }
0x1c8: {  	v1 =	vmul.f32 v3, v55;
	v62 =	vmul.f32 v57, v4;
	v63 =	vsub.f32 v10, v11  }
0x1c9: {  	v0 =	vadd.f32 v0, v2;
	[tilespmem:s29+$0x90] =	vst v61  }
0x1ca: {  	v1 =	vadd.f32 v1, v62;
	[tilespmem:s29+$0x80] =	vst v63  }
0x1cb: {  	[tilespmem:s29+$0xA0] =	vst v0  }
0x1cc: {  	s31 =	rddreg [dreg:$0x6];
	s28 =	sadd.s32 $0x1, s28;
	[tilespmem:s29+$0xB0] =	vst v1  }
0x1cd: {  	[hbm4b:s31+s2] =	stream.linear.scatter [tilespmem:s21], [sflag:$0x5], $0x5000, $0x38;
	[tilespmem:$0x1E000] =	vst v63  }
0x1ce: {  	p0 =	sne.s32 s28, s15;
	_ =	swait.ge [sflag:s25], $0x5000  }
.Ltmp5:
0x1cf: {  	[sflag:s25] =	ssyncset.done $0x0;
	(pc) =	sbr.rel @p0 .LBB2_1-.Ltmp5, $4  }
0x1d0: {  	[sflag:s25] =	ssyncadd.s32 $0xFFFFB000  }
0x1d1: {  	_ =	swait.ge [sflag:s26], $0x5000  }
0x1d2: {  	[sflag:s26] =	ssyncset.done $0x0  }
0x1d3: {  	[sflag:s26] =	ssyncadd.s32 $0xFFFFB000  }
0x1d4: {  	_ =	sfence.sel $0x180000  }
0x1d5: {  	[bflag:$0x0] =	sbarrier.arrive $0xFFFF  }
0x1d6: {  	_ =	strace $0x90000047  }
0x1d7: {  	s0 =	stileid.u32;
	[bflag:$0x2] =	sbarrier.arrive $0xFFFF  }
0x1d8: {  	p0 =	sne.s32 s0, $0x0;
	s0 =	rddreg [dreg:$0x1]  }
0x1d9: {  	s0 =	sadd.s32 @!p0 $0x100000, s0  }
0x1da: {  	[sflag:s0] =	ssyncadd.tile.s32 @!p0 $0x1;
	_ =	shalt  }
.Lfunc_end2:
_tile_overlayer_lowered:
.L_overlay_start_2:
0x1db: {  	(tag) =	ssettag $0x2  }
0x1dc: {  	s0 =	rddreg [dreg:$0x0];
	s2 =	stileid.u32  }
0x1dd: {  	s1 =	rddreg [dreg:$0x1];
	p0 =	sne.s32 s2, $0x0  }
0x1de: {  	s3 =	rddreg [dreg:$0x2];
	[bflag:$0x3] =	sbarrier.arrive $0xFFFF;
	s2 =	simm.s32 @!p0 $0x1C07  }
0x1df: {  	[timem:s3], [sflag:s2] =	dma.local @!p0 [hbm:s0], s1  }
0x1e0: {  	s0 =	simm.s32 @!p0 $0x7  }
0x1e1: {  	_ =	swait.ge @!p0 [sflag:s0], s1  }
0x1e2: {  	s1 =	ssub.s32 @!p0 $0x0, s1;
	[sflag:s0] =	ssyncset.done @!p0 $0x0  }
0x1e3: {  	[sflag:s0] =	ssyncadd.s32 @!p0 s1  }
0x1e4: {  	[bflag:$0x3] =	sbarrier.arrive $0xFFFF  }
0x1e5: {  	_ =	shalt  }

</sc_bundles>
